<compile_context>
chip_gen: v7x
topology: tpu7x:2x2x1
jax: 0.10.2.dev20260603
libtpu: 0.0.44.dev20260713+nightly
codegen_flags: <defaults>
</compile_context>

<pallas_src>
import functools

import jax
import jax.numpy as jnp
from jax import lax
from jax.experimental import pallas as pl
from jax.experimental.pallas import tpu as pltpu
from jax.experimental.pallas import tpu_sc as plsc

BATCH = 4096
HIST = 200
EMBED_DIM = 64
L = 128


@functools.cache
def _make_gather(V):
  info = plsc.get_sparse_core_info()
  nw = info.num_cores * info.num_subcores
  assert BATCH // L == nw

  mesh = plsc.VectorSubcoreMesh(core_axis_name="c", subcore_axis_name="s")

  @functools.partial(
      pl.kernel,
      mesh=mesh,
      compiler_params=pltpu.CompilerParams(
          use_tc_tiling_on_sc=False, needs_layout_passes=False),
      out_type=jax.ShapeDtypeStruct((HIST, 8, BATCH // L, 8, L), jnp.float32),
      scratch_types=[
          pltpu.VMEM((HIST, L), jnp.int32),
          pltpu.VMEM((L, EMBED_DIM), jnp.float32),
          pltpu.VMEM((L, EMBED_DIM), jnp.float32),
          pltpu.VMEM((EMBED_DIM, 129), jnp.float32),
          pltpu.VMEM((EMBED_DIM, 129), jnp.float32),
          pltpu.SemaphoreType.DMA,
          pltpu.SemaphoreType.DMA,
          pltpu.SemaphoreType.DMA,
          pltpu.SemaphoreType.DMA,
      ],
  )
  def gather_kernel(table_hbm, idx_hbm, out_hbm,
                    idx_all, rows_a, rows_b, tr_a, tr_b,
                    sem_a, sem_b, wsem_a, wsem_b):
    wid = lax.axis_index("s") * info.num_cores + lax.axis_index("c")
    col = wid * L
    lane = lax.iota(jnp.int32, 16)
    ones = lane * 0 + 1
    dvec = [d0 * 16 + lane for d0 in range(4)]

    pltpu.sync_copy(idx_hbm.at[:, pl.ds(col, L)], idx_all)

    def fire(h, rows_v, sem):
      pltpu.async_copy(table_hbm.at[idx_all.at[h]], rows_v, sem)

    def gwait(h, rows_v, sem):
      pltpu.make_async_copy(table_hbm.at[idx_all.at[h]], rows_v, sem).wait()

    def transpose(rows_v, tr_v):
      @plsc.parallel_loop(0, L, unroll=4, carry=lane * 0)
      def _(tok, tv):
        for d0 in range(4):
          v = rows_v[tok, pl.ds(d0 * 16, 16)]
          plsc.store_scatter(tr_v, [dvec[d0], tv], v)
        return tv + ones

    def wfire(h, tr_v, wsem):
      for t1 in range(8):
        pltpu.async_copy(tr_v.at[pl.ds(t1 * 8, 8), pl.ds(0, L)],
                         out_hbm.at[h, t1, wid], wsem)

    def wwait(h, tr_v, wsem):
      for t1 in range(8):
        pltpu.make_async_copy(tr_v.at[pl.ds(t1 * 8, 8), pl.ds(0, L)],
                              out_hbm.at[h, t1, wid], wsem).wait()

    fire(0, rows_a, sem_a)

    def body(i, carry):
      h = 2 * i
      fire(h + 1, rows_b, sem_b)
      gwait(h, rows_a, sem_a)

      @pl.when(i > 0)
      def _():
        wwait(h, tr_a, wsem_a)

      transpose(rows_a, tr_a)
      wfire(h, tr_a, wsem_a)

      @pl.when(i < HIST // 2 - 1)
      def _():
        fire(h + 2, rows_a, sem_a)

      gwait(h + 1, rows_b, sem_b)

      @pl.when(i > 0)
      def _():
        wwait(h, tr_b, wsem_b)

      transpose(rows_b, tr_b)
      wfire(h + 1, tr_b, wsem_b)
      return carry

    lax.fori_loop(0, HIST // 2, body, 0)
    wwait(0, tr_a, wsem_a)
    wwait(0, tr_b, wsem_b)

  return gather_kernel


def kernel(seqTensor, table):
  idx = seqTensor.T.astype(jnp.int32)
  out5 = _make_gather(table.shape[0])(table, idx)
  return out5.transpose(2, 4, 0, 1, 3).reshape(BATCH, HIST, EMBED_DIM)

# --- scband reference (transcript-rebuilt; emitter-appended) ---
"""Pipeline reference for scband-simple-embedding-21534966022365 (READ-ONLY COPY).

The authoritative reference and input builder live on the scoring server;
editing this copy changes nothing except your own understanding.
"""

import jax, jax.numpy as jnp
import numpy as np

VOCAB = 1000000
EMBED_DIM = 64
BATCH = 4096
HIST = 200

def setup_inputs(seed: int = 0) -> dict:
    key = jax.random.key(seed)
    k_idx, k_tab = jax.random.split(key)
    seqTensor = jax.random.randint(k_idx, (BATCH, HIST), 0, VOCAB, dtype=jnp.int64 if jax.config.jax_enable_x64 else jnp.int32)
    table = jax.random.normal(k_tab, (VOCAB, EMBED_DIM), dtype=jnp.float32) * 0.02
    return {"seqTensor": seqTensor, "table": table}

def reference(seqTensor, table):
    # SimpleEmbedding.forward: wordEmbedding = embedding(seqTensor)
    wordEmbedding = jnp.take(table, seqTensor, axis=0)
    return wordEmbedding

if __name__ == "__main__":
    import jax
    _d = setup_inputs()
    print(jax.jit(kernel)(*tuple(_d.values())))

</pallas_src>

<mosaic_0001>
#map = affine_map<(d0, d1) -> (0, 0)>
#map1 = affine_map<(d0, d1) -> (0, 0, 0, 0, 0)>
module attributes {stable_mosaic.version = 14 : i64} {
  func.func @gather_kernel(%arg0: i32, %arg1: i32, %arg2: memref<1000000x64xf32, #tpu.memory_space<hbm>>, %arg3: memref<200x4096xi32, #tpu.memory_space<hbm>>, %arg4: memref<200x8x32x8x128xf32, #tpu.memory_space<hbm>>, %arg5: memref<200x128xi32, #tpu.memory_space<vmem>>, %arg6: memref<128x64xf32, #tpu.memory_space<vmem>>, %arg7: memref<128x64xf32, #tpu.memory_space<vmem>>, %arg8: memref<64x129xf32, #tpu.memory_space<vmem>>, %arg9: memref<64x129xf32, #tpu.memory_space<vmem>>, %arg10: memref<!tpu.dma_semaphore, #tpu.memory_space<semaphore_mem>>, %arg11: memref<!tpu.dma_semaphore, #tpu.memory_space<semaphore_mem>>, %arg12: memref<!tpu.dma_semaphore, #tpu.memory_space<semaphore_mem>>, %arg13: memref<!tpu.dma_semaphore, #tpu.memory_space<semaphore_mem>>) attributes {dimension_semantics = [#tpu.dimension_semantics<core_parallel>, #tpu.dimension_semantics<subcore_parallel>], iteration_bounds = array<i64: 2, 16>, scalar_prefetch = 0 : i64, scratch_operands = 9 : i64, tpu.core_type = #tpu.core_type<sc_vector_subcore>, window_params = [{transform_indices = #map}, {transform_indices = #map}, {transform_indices = #map1}]} {
    %mul3A = arith.constant 2 : i32
    %mul3A_0 = arith.muli %arg1, %mul3A : i32
    %add3A = arith.addi %mul3A_0, %arg0 : i32
    %mul3A_1 = arith.constant 128 : i32
    %mul3A_2 = arith.muli %add3A, %mul3A_1 : i32
    %iota3A = tpu.iota {dimensions = array<i32: 0>} : vector<16xi32>
    %mul3A_3 = arith.constant 0 : i32
    %mul3A_4 = vector.broadcast %mul3A_3 : i32 to vector<16xi32>
    %mul3A_5 = arith.muli %iota3A, %mul3A_4 : vector<16xi32>
    %add3A_6 = arith.constant 1 : i32
    %add3A_7 = vector.broadcast %add3A_6 : i32 to vector<16xi32>
    %add3A_8 = arith.addi %mul3A_5, %add3A_7 : vector<16xi32>
    %add3A_9 = arith.constant 0 : i32
    %add3A_10 = vector.broadcast %add3A_9 : i32 to vector<16xi32>
    %add3A_11 = arith.addi %add3A_10, %iota3A : vector<16xi32>
    %add3A_12 = arith.constant 16 : i32
    %add3A_13 = vector.broadcast %add3A_12 : i32 to vector<16xi32>
    %add3A_14 = arith.addi %add3A_13, %iota3A : vector<16xi32>
    %add3A_15 = arith.constant 32 : i32
    %add3A_16 = vector.broadcast %add3A_15 : i32 to vector<16xi32>
    %add3A_17 = arith.addi %add3A_16, %iota3A : vector<16xi32>
    %add3A_18 = arith.constant 48 : i32
    %add3A_19 = vector.broadcast %add3A_18 : i32 to vector<16xi32>
    %add3A_20 = arith.addi %add3A_19, %iota3A : vector<16xi32>
    "tpu.region"() ({
      %run_scoped3A = tpu.sem_alloc : memref<!tpu.dma_semaphore, #tpu.memory_space<semaphore_mem>>
      %dma_start3A_287 = arith.constant 0 : i32
      %dma_start3A_288 = tpu.memref_slice %arg3[%dma_start3A_287, %mul3A_2] : memref<200x4096xi32, #tpu.memory_space<hbm>> -> memref<200x128xi32, #tpu.memory_space<hbm>>
      %dma_start3A_289 = arith.constant 0 : i32
      %dma_start3A_290 = tpu.memref_slice %arg3[%dma_start3A_289, %mul3A_2] : memref<200x4096xi32, #tpu.memory_space<hbm>> -> memref<200x128xi32, #tpu.memory_space<hbm>>
      tpu.enqueue_dma source(%dma_start3A_290 : memref<200x128xi32, #tpu.memory_space<hbm>>) target(%arg5 : memref<200x128xi32, #tpu.memory_space<vmem>>) target_semaphore(%run_scoped3A : memref<!tpu.dma_semaphore, #tpu.memory_space<semaphore_mem>>)
      %dma_wait3A_291 = arith.constant 0 : i32
      %dma_wait3A_292 = tpu.memref_slice %arg3[%dma_wait3A_291, %mul3A_2] : memref<200x4096xi32, #tpu.memory_space<hbm>> -> memref<200x128xi32, #tpu.memory_space<hbm>>
      %dma_wait3A_293 = arith.constant 0 : i32
      %dma_wait3A_294 = tpu.memref_slice %arg3[%dma_wait3A_293, %mul3A_2] : memref<200x4096xi32, #tpu.memory_space<hbm>> -> memref<200x128xi32, #tpu.memory_space<hbm>>
      tpu.wait_dma2 semaphore(%run_scoped3A : memref<!tpu.dma_semaphore, #tpu.memory_space<semaphore_mem>>) src(%dma_wait3A_294 : memref<200x128xi32, #tpu.memory_space<hbm>>) dst(%arg5 : memref<200x128xi32, #tpu.memory_space<vmem>>)
      tpu.yield
    }) : () -> ()
    %dma_start3A = arith.constant 0 : i32
    %dma_start3A_21 = arith.constant 0 : i32
    %dma_start3A_22 = tpu.memref_slice %arg5[%dma_start3A, %dma_start3A_21] : memref<200x128xi32, #tpu.memory_space<vmem>> -> memref<1x128xi32, #tpu.memory_space<vmem>>
    %dma_start3A_23 = tpu.memref_squeeze %dma_start3A_22 : memref<1x128xi32, #tpu.memory_space<vmem>> -> memref<128xi32, #tpu.memory_space<vmem>>
    %dma_start3A_24 = arith.constant 0 : i32
    %dma_start3A_25 = arith.constant 0 : i32
    %dma_start3A_26 = tpu.memref_slice %arg2[%dma_start3A_24, %dma_start3A_25] : memref<1000000x64xf32, #tpu.memory_space<hbm>> -> memref<1000000x64xf32, #tpu.memory_space<hbm>>
    tpu.enqueue_indirect_dma source(%dma_start3A_26 : memref<1000000x64xf32, #tpu.memory_space<hbm>>) target(%arg6 : memref<128x64xf32, #tpu.memory_space<vmem>>) offsets(%dma_start3A_23 : memref<128xi32, #tpu.memory_space<vmem>>) semaphore(%arg10 : memref<!tpu.dma_semaphore, #tpu.memory_space<semaphore_mem>>)
    %scan3A = arith.constant 0 : i32
    %scan3A_27 = arith.constant 0 : i32
    %scan3A_28 = arith.constant 100 : i32
    %scan3A_29 = arith.addi %scan3A_27, %scan3A_28 : i32
    %scan3A_30 = arith.constant 1 : i32
    scf.for %scan3A_287 = %scan3A_27 to %scan3A_29 step %scan3A_30  : i32 {
      %mul3A_288 = arith.constant 2 : i32
      %mul3A_289 = arith.muli %mul3A_288, %scan3A_287 : i32
      %add3A_290 = arith.constant 1 : i32
      %add3A_291 = arith.addi %mul3A_289, %add3A_290 : i32
      %dma_start3A_292 = arith.constant 0 : i32
      %dma_start3A_293 = tpu.memref_slice %arg5[%add3A_291, %dma_start3A_292] : memref<200x128xi32, #tpu.memory_space<vmem>> -> memref<1x128xi32, #tpu.memory_space<vmem>>
      %dma_start3A_294 = tpu.memref_squeeze %dma_start3A_293 : memref<1x128xi32, #tpu.memory_space<vmem>> -> memref<128xi32, #tpu.memory_space<vmem>>
      %dma_start3A_295 = arith.constant 0 : i32
      %dma_start3A_296 = arith.constant 0 : i32
      %dma_start3A_297 = tpu.memref_slice %arg2[%dma_start3A_295, %dma_start3A_296] : memref<1000000x64xf32, #tpu.memory_space<hbm>> -> memref<1000000x64xf32, #tpu.memory_space<hbm>>
      tpu.enqueue_indirect_dma source(%dma_start3A_297 : memref<1000000x64xf32, #tpu.memory_space<hbm>>) target(%arg7 : memref<128x64xf32, #tpu.memory_space<vmem>>) offsets(%dma_start3A_294 : memref<128xi32, #tpu.memory_space<vmem>>) semaphore(%arg11 : memref<!tpu.dma_semaphore, #tpu.memory_space<semaphore_mem>>)
      %dma_wait3A_298 = arith.constant 0 : i32
      %dma_wait3A_299 = tpu.memref_slice %arg5[%mul3A_289, %dma_wait3A_298] : memref<200x128xi32, #tpu.memory_space<vmem>> -> memref<1x128xi32, #tpu.memory_space<vmem>>
      %dma_wait3A_300 = tpu.memref_squeeze %dma_wait3A_299 : memref<1x128xi32, #tpu.memory_space<vmem>> -> memref<128xi32, #tpu.memory_space<vmem>>
      %dma_wait3A_301 = arith.constant 0 : i32
      %dma_wait3A_302 = arith.constant 0 : i32
      %dma_wait3A_303 = tpu.memref_slice %arg2[%dma_wait3A_301, %dma_wait3A_302] : memref<1000000x64xf32, #tpu.memory_space<hbm>> -> memref<1000000x64xf32, #tpu.memory_space<hbm>>
      tpu.wait_indirect_dma semaphore(%arg10 : memref<!tpu.dma_semaphore, #tpu.memory_space<semaphore_mem>>) src(%dma_wait3A_303 : memref<1000000x64xf32, #tpu.memory_space<hbm>>) dst(%arg6 : memref<128x64xf32, #tpu.memory_space<vmem>>)
      %gt3A = arith.constant 0 : i32
      %gt3A_304 = arith.cmpi sgt, %scan3A_287, %gt3A : i32
      %convert_element_type3A = arith.extui %gt3A_304 : i1 to i32
      %cond3A = arith.constant 0 : i32
      %cond3A_305 = arith.cmpi ne, %convert_element_type3A, %cond3A : i32
      scf.if %cond3A_305 {
        %dma_wait3A_578 = arith.constant 0 : i32
        %dma_wait3A_579 = arith.constant 0 : i32
        %dma_wait3A_580 = arith.constant 0 : i32
        %dma_wait3A_581 = tpu.memref_slice %arg8[%dma_wait3A_579, %dma_wait3A_580] : memref<64x129xf32, #tpu.memory_space<vmem>> -> memref<8x128xf32, #tpu.memory_space<vmem>>
        %dma_wait3A_582 = arith.constant 0 : i32
        %dma_wait3A_583 = arith.constant 0 : i32
        %dma_wait3A_584 = tpu.memref_slice %arg4[%mul3A_289, %dma_wait3A_578, %add3A, %dma_wait3A_582, %dma_wait3A_583] : memref<200x8x32x8x128xf32, #tpu.memory_space<hbm>> -> memref<1x1x1x8x128xf32, #tpu.memory_space<hbm>>
        %dma_wait3A_585 = tpu.memref_squeeze %dma_wait3A_584 : memref<1x1x1x8x128xf32, #tpu.memory_space<hbm>> -> memref<8x128xf32, #tpu.memory_space<hbm>>
        %dma_wait3A_586 = arith.constant 0 : i32
        %dma_wait3A_587 = arith.constant 0 : i32
        %dma_wait3A_588 = tpu.memref_slice %arg4[%mul3A_289, %dma_wait3A_578, %add3A, %dma_wait3A_586, %dma_wait3A_587] : memref<200x8x32x8x128xf32, #tpu.memory_space<hbm>> -> memref<1x1x1x8x128xf32, #tpu.memory_space<hbm>>
        %dma_wait3A_589 = tpu.memref_squeeze %dma_wait3A_588 : memref<1x1x1x8x128xf32, #tpu.memory_space<hbm>> -> memref<8x128xf32, #tpu.memory_space<hbm>>
        %dma_wait3A_590 = arith.constant 0 : i32
        %dma_wait3A_591 = arith.constant 0 : i32
        %dma_wait3A_592 = tpu.memref_slice %arg8[%dma_wait3A_590, %dma_wait3A_591] : memref<64x129xf32, #tpu.memory_space<vmem>> -> memref<8x128xf32, #tpu.memory_space<vmem>>
        tpu.wait_dma2 semaphore(%arg12 : memref<!tpu.dma_semaphore, #tpu.memory_space<semaphore_mem>>) src(%dma_wait3A_592 : memref<8x128xf32, #tpu.memory_space<vmem>>) dst(%dma_wait3A_589 : memref<8x128xf32, #tpu.memory_space<hbm>>)
        %dma_wait3A_593 = arith.constant 1 : i32
        %dma_wait3A_594 = arith.constant 8 : i32
        %dma_wait3A_595 = arith.constant 0 : i32
        %dma_wait3A_596 = tpu.memref_slice %arg8[%dma_wait3A_594, %dma_wait3A_595] : memref<64x129xf32, #tpu.memory_space<vmem>> -> memref<8x128xf32, #tpu.memory_space<vmem>>
        %dma_wait3A_597 = arith.constant 0 : i32
        %dma_wait3A_598 = arith.constant 0 : i32
        %dma_wait3A_599 = tpu.memref_slice %arg4[%mul3A_289, %dma_wait3A_593, %add3A, %dma_wait3A_597, %dma_wait3A_598] : memref<200x8x32x8x128xf32, #tpu.memory_space<hbm>> -> memref<1x1x1x8x128xf32, #tpu.memory_space<hbm>>
        %dma_wait3A_600 = tpu.memref_squeeze %dma_wait3A_599 : memref<1x1x1x8x128xf32, #tpu.memory_space<hbm>> -> memref<8x128xf32, #tpu.memory_space<hbm>>
        %dma_wait3A_601 = arith.constant 0 : i32
        %dma_wait3A_602 = arith.constant 0 : i32
        %dma_wait3A_603 = tpu.memref_slice %arg4[%mul3A_289, %dma_wait3A_593, %add3A, %dma_wait3A_601, %dma_wait3A_602] : memref<200x8x32x8x128xf32, #tpu.memory_space<hbm>> -> memref<1x1x1x8x128xf32, #tpu.memory_space<hbm>>
        %dma_wait3A_604 = tpu.memref_squeeze %dma_wait3A_603 : memref<1x1x1x8x128xf32, #tpu.memory_space<hbm>> -> memref<8x128xf32, #tpu.memory_space<hbm>>
        %dma_wait3A_605 = arith.constant 8 : i32
        %dma_wait3A_606 = arith.constant 0 : i32
        %dma_wait3A_607 = tpu.memref_slice %arg8[%dma_wait3A_605, %dma_wait3A_606] : memref<64x129xf32, #tpu.memory_space<vmem>> -> memref<8x128xf32, #tpu.memory_space<vmem>>
        tpu.wait_dma2 semaphore(%arg12 : memref<!tpu.dma_semaphore, #tpu.memory_space<semaphore_mem>>) src(%dma_wait3A_607 : memref<8x128xf32, #tpu.memory_space<vmem>>) dst(%dma_wait3A_604 : memref<8x128xf32, #tpu.memory_space<hbm>>)
        %dma_wait3A_608 = arith.constant 2 : i32
        %dma_wait3A_609 = arith.constant 16 : i32
        %dma_wait3A_610 = arith.constant 0 : i32
        %dma_wait3A_611 = tpu.memref_slice %arg8[%dma_wait3A_609, %dma_wait3A_610] : memref<64x129xf32, #tpu.memory_space<vmem>> -> memref<8x128xf32, #tpu.memory_space<vmem>>
        %dma_wait3A_612 = arith.constant 0 : i32
        %dma_wait3A_613 = arith.constant 0 : i32
        %dma_wait3A_614 = tpu.memref_slice %arg4[%mul3A_289, %dma_wait3A_608, %add3A, %dma_wait3A_612, %dma_wait3A_613] : memref<200x8x32x8x128xf32, #tpu.memory_space<hbm>> -> memref<1x1x1x8x128xf32, #tpu.memory_space<hbm>>
        %dma_wait3A_615 = tpu.memref_squeeze %dma_wait3A_614 : memref<1x1x1x8x128xf32, #tpu.memory_space<hbm>> -> memref<8x128xf32, #tpu.memory_space<hbm>>
        %dma_wait3A_616 = arith.constant 0 : i32
        %dma_wait3A_617 = arith.constant 0 : i32
        %dma_wait3A_618 = tpu.memref_slice %arg4[%mul3A_289, %dma_wait3A_608, %add3A, %dma_wait3A_616, %dma_wait3A_617] : memref<200x8x32x8x128xf32, #tpu.memory_space<hbm>> -> memref<1x1x1x8x128xf32, #tpu.memory_space<hbm>>
        %dma_wait3A_619 = tpu.memref_squeeze %dma_wait3A_618 : memref<1x1x1x8x128xf32, #tpu.memory_space<hbm>> -> memref<8x128xf32, #tpu.memory_space<hbm>>
        %dma_wait3A_620 = arith.constant 16 : i32
        %dma_wait3A_621 = arith.constant 0 : i32
        %dma_wait3A_622 = tpu.memref_slice %arg8[%dma_wait3A_620, %dma_wait3A_621] : memref<64x129xf32, #tpu.memory_space<vmem>> -> memref<8x128xf32, #tpu.memory_space<vmem>>
        tpu.wait_dma2 semaphore(%arg12 : memref<!tpu.dma_semaphore, #tpu.memory_space<semaphore_mem>>) src(%dma_wait3A_622 : memref<8x128xf32, #tpu.memory_space<vmem>>) dst(%dma_wait3A_619 : memref<8x128xf32, #tpu.memory_space<hbm>>)
        %dma_wait3A_623 = arith.constant 3 : i32
        %dma_wait3A_624 = arith.constant 24 : i32
        %dma_wait3A_625 = arith.constant 0 : i32
        %dma_wait3A_626 = tpu.memref_slice %arg8[%dma_wait3A_624, %dma_wait3A_625] : memref<64x129xf32, #tpu.memory_space<vmem>> -> memref<8x128xf32, #tpu.memory_space<vmem>>
        %dma_wait3A_627 = arith.constant 0 : i32
        %dma_wait3A_628 = arith.constant 0 : i32
        %dma_wait3A_629 = tpu.memref_slice %arg4[%mul3A_289, %dma_wait3A_623, %add3A, %dma_wait3A_627, %dma_wait3A_628] : memref<200x8x32x8x128xf32, #tpu.memory_space<hbm>> -> memref<1x1x1x8x128xf32, #tpu.memory_space<hbm>>
        %dma_wait3A_630 = tpu.memref_squeeze %dma_wait3A_629 : memref<1x1x1x8x128xf32, #tpu.memory_space<hbm>> -> memref<8x128xf32, #tpu.memory_space<hbm>>
        %dma_wait3A_631 = arith.constant 0 : i32
        %dma_wait3A_632 = arith.constant 0 : i32
        %dma_wait3A_633 = tpu.memref_slice %arg4[%mul3A_289, %dma_wait3A_623, %add3A, %dma_wait3A_631, %dma_wait3A_632] : memref<200x8x32x8x128xf32, #tpu.memory_space<hbm>> -> memref<1x1x1x8x128xf32, #tpu.memory_space<hbm>>
        %dma_wait3A_634 = tpu.memref_squeeze %dma_wait3A_633 : memref<1x1x1x8x128xf32, #tpu.memory_space<hbm>> -> memref<8x128xf32, #tpu.memory_space<hbm>>
        %dma_wait3A_635 = arith.constant 24 : i32
        %dma_wait3A_636 = arith.constant 0 : i32
        %dma_wait3A_637 = tpu.memref_slice %arg8[%dma_wait3A_635, %dma_wait3A_636] : memref<64x129xf32, #tpu.memory_space<vmem>> -> memref<8x128xf32, #tpu.memory_space<vmem>>
        tpu.wait_dma2 semaphore(%arg12 : memref<!tpu.dma_semaphore, #tpu.memory_space<semaphore_mem>>) src(%dma_wait3A_637 : memref<8x128xf32, #tpu.memory_space<vmem>>) dst(%dma_wait3A_634 : memref<8x128xf32, #tpu.memory_space<hbm>>)
        %dma_wait3A_638 = arith.constant 4 : i32
        %dma_wait3A_639 = arith.constant 32 : i32
        %dma_wait3A_640 = arith.constant 0 : i32
        %dma_wait3A_641 = tpu.memref_slice %arg8[%dma_wait3A_639, %dma_wait3A_640] : memref<64x129xf32, #tpu.memory_space<vmem>> -> memref<8x128xf32, #tpu.memory_space<vmem>>
        %dma_wait3A_642 = arith.constant 0 : i32
        %dma_wait3A_643 = arith.constant 0 : i32
        %dma_wait3A_644 = tpu.memref_slice %arg4[%mul3A_289, %dma_wait3A_638, %add3A, %dma_wait3A_642, %dma_wait3A_643] : memref<200x8x32x8x128xf32, #tpu.memory_space<hbm>> -> memref<1x1x1x8x128xf32, #tpu.memory_space<hbm>>
        %dma_wait3A_645 = tpu.memref_squeeze %dma_wait3A_644 : memref<1x1x1x8x128xf32, #tpu.memory_space<hbm>> -> memref<8x128xf32, #tpu.memory_space<hbm>>
        %dma_wait3A_646 = arith.constant 0 : i32
        %dma_wait3A_647 = arith.constant 0 : i32
        %dma_wait3A_648 = tpu.memref_slice %arg4[%mul3A_289, %dma_wait3A_638, %add3A, %dma_wait3A_646, %dma_wait3A_647] : memref<200x8x32x8x128xf32, #tpu.memory_space<hbm>> -> memref<1x1x1x8x128xf32, #tpu.memory_space<hbm>>
        %dma_wait3A_649 = tpu.memref_squeeze %dma_wait3A_648 : memref<1x1x1x8x128xf32, #tpu.memory_space<hbm>> -> memref<8x128xf32, #tpu.memory_space<hbm>>
        %dma_wait3A_650 = arith.constant 32 : i32
        %dma_wait3A_651 = arith.constant 0 : i32
        %dma_wait3A_652 = tpu.memref_slice %arg8[%dma_wait3A_650, %dma_wait3A_651] : memref<64x129xf32, #tpu.memory_space<vmem>> -> memref<8x128xf32, #tpu.memory_space<vmem>>
        tpu.wait_dma2 semaphore(%arg12 : memref<!tpu.dma_semaphore, #tpu.memory_space<semaphore_mem>>) src(%dma_wait3A_652 : memref<8x128xf32, #tpu.memory_space<vmem>>) dst(%dma_wait3A_649 : memref<8x128xf32, #tpu.memory_space<hbm>>)
        %dma_wait3A_653 = arith.constant 5 : i32
        %dma_wait3A_654 = arith.constant 40 : i32
        %dma_wait3A_655 = arith.constant 0 : i32
        %dma_wait3A_656 = tpu.memref_slice %arg8[%dma_wait3A_654, %dma_wait3A_655] : memref<64x129xf32, #tpu.memory_space<vmem>> -> memref<8x128xf32, #tpu.memory_space<vmem>>
        %dma_wait3A_657 = arith.constant 0 : i32
        %dma_wait3A_658 = arith.constant 0 : i32
        %dma_wait3A_659 = tpu.memref_slice %arg4[%mul3A_289, %dma_wait3A_653, %add3A, %dma_wait3A_657, %dma_wait3A_658] : memref<200x8x32x8x128xf32, #tpu.memory_space<hbm>> -> memref<1x1x1x8x128xf32, #tpu.memory_space<hbm>>
        %dma_wait3A_660 = tpu.memref_squeeze %dma_wait3A_659 : memref<1x1x1x8x128xf32, #tpu.memory_space<hbm>> -> memref<8x128xf32, #tpu.memory_space<hbm>>
        %dma_wait3A_661 = arith.constant 0 : i32
        %dma_wait3A_662 = arith.constant 0 : i32
        %dma_wait3A_663 = tpu.memref_slice %arg4[%mul3A_289, %dma_wait3A_653, %add3A, %dma_wait3A_661, %dma_wait3A_662] : memref<200x8x32x8x128xf32, #tpu.memory_space<hbm>> -> memref<1x1x1x8x128xf32, #tpu.memory_space<hbm>>
        %dma_wait3A_664 = tpu.memref_squeeze %dma_wait3A_663 : memref<1x1x1x8x128xf32, #tpu.memory_space<hbm>> -> memref<8x128xf32, #tpu.memory_space<hbm>>
        %dma_wait3A_665 = arith.constant 40 : i32
        %dma_wait3A_666 = arith.constant 0 : i32
        %dma_wait3A_667 = tpu.memref_slice %arg8[%dma_wait3A_665, %dma_wait3A_666] : memref<64x129xf32, #tpu.memory_space<vmem>> -> memref<8x128xf32, #tpu.memory_space<vmem>>
        tpu.wait_dma2 semaphore(%arg12 : memref<!tpu.dma_semaphore, #tpu.memory_space<semaphore_mem>>) src(%dma_wait3A_667 : memref<8x128xf32, #tpu.memory_space<vmem>>) dst(%dma_wait3A_664 : memref<8x128xf32, #tpu.memory_space<hbm>>)
        %dma_wait3A_668 = arith.constant 6 : i32
        %dma_wait3A_669 = arith.constant 48 : i32
        %dma_wait3A_670 = arith.constant 0 : i32
        %dma_wait3A_671 = tpu.memref_slice %arg8[%dma_wait3A_669, %dma_wait3A_670] : memref<64x129xf32, #tpu.memory_space<vmem>> -> memref<8x128xf32, #tpu.memory_space<vmem>>
        %dma_wait3A_672 = arith.constant 0 : i32
        %dma_wait3A_673 = arith.constant 0 : i32
        %dma_wait3A_674 = tpu.memref_slice %arg4[%mul3A_289, %dma_wait3A_668, %add3A, %dma_wait3A_672, %dma_wait3A_673] : memref<200x8x32x8x128xf32, #tpu.memory_space<hbm>> -> memref<1x1x1x8x128xf32, #tpu.memory_space<hbm>>
        %dma_wait3A_675 = tpu.memref_squeeze %dma_wait3A_674 : memref<1x1x1x8x128xf32, #tpu.memory_space<hbm>> -> memref<8x128xf32, #tpu.memory_space<hbm>>
        %dma_wait3A_676 = arith.constant 0 : i32
        %dma_wait3A_677 = arith.constant 0 : i32
        %dma_wait3A_678 = tpu.memref_slice %arg4[%mul3A_289, %dma_wait3A_668, %add3A, %dma_wait3A_676, %dma_wait3A_677] : memref<200x8x32x8x128xf32, #tpu.memory_space<hbm>> -> memref<1x1x1x8x128xf32, #tpu.memory_space<hbm>>
        %dma_wait3A_679 = tpu.memref_squeeze %dma_wait3A_678 : memref<1x1x1x8x128xf32, #tpu.memory_space<hbm>> -> memref<8x128xf32, #tpu.memory_space<hbm>>
        %dma_wait3A_680 = arith.constant 48 : i32
        %dma_wait3A_681 = arith.constant 0 : i32
        %dma_wait3A_682 = tpu.memref_slice %arg8[%dma_wait3A_680, %dma_wait3A_681] : memref<64x129xf32, #tpu.memory_space<vmem>> -> memref<8x128xf32, #tpu.memory_space<vmem>>
        tpu.wait_dma2 semaphore(%arg12 : memref<!tpu.dma_semaphore, #tpu.memory_space<semaphore_mem>>) src(%dma_wait3A_682 : memref<8x128xf32, #tpu.memory_space<vmem>>) dst(%dma_wait3A_679 : memref<8x128xf32, #tpu.memory_space<hbm>>)
        %dma_wait3A_683 = arith.constant 7 : i32
        %dma_wait3A_684 = arith.constant 56 : i32
        %dma_wait3A_685 = arith.constant 0 : i32
        %dma_wait3A_686 = tpu.memref_slice %arg8[%dma_wait3A_684, %dma_wait3A_685] : memref<64x129xf32, #tpu.memory_space<vmem>> -> memref<8x128xf32, #tpu.memory_space<vmem>>
        %dma_wait3A_687 = arith.constant 0 : i32
        %dma_wait3A_688 = arith.constant 0 : i32
        %dma_wait3A_689 = tpu.memref_slice %arg4[%mul3A_289, %dma_wait3A_683, %add3A, %dma_wait3A_687, %dma_wait3A_688] : memref<200x8x32x8x128xf32, #tpu.memory_space<hbm>> -> memref<1x1x1x8x128xf32, #tpu.memory_space<hbm>>
        %dma_wait3A_690 = tpu.memref_squeeze %dma_wait3A_689 : memref<1x1x1x8x128xf32, #tpu.memory_space<hbm>> -> memref<8x128xf32, #tpu.memory_space<hbm>>
        %dma_wait3A_691 = arith.constant 0 : i32
        %dma_wait3A_692 = arith.constant 0 : i32
        %dma_wait3A_693 = tpu.memref_slice %arg4[%mul3A_289, %dma_wait3A_683, %add3A, %dma_wait3A_691, %dma_wait3A_692] : memref<200x8x32x8x128xf32, #tpu.memory_space<hbm>> -> memref<1x1x1x8x128xf32, #tpu.memory_space<hbm>>
        %dma_wait3A_694 = tpu.memref_squeeze %dma_wait3A_693 : memref<1x1x1x8x128xf32, #tpu.memory_space<hbm>> -> memref<8x128xf32, #tpu.memory_space<hbm>>
        %dma_wait3A_695 = arith.constant 56 : i32
        %dma_wait3A_696 = arith.constant 0 : i32
        %dma_wait3A_697 = tpu.memref_slice %arg8[%dma_wait3A_695, %dma_wait3A_696] : memref<64x129xf32, #tpu.memory_space<vmem>> -> memref<8x128xf32, #tpu.memory_space<vmem>>
        tpu.wait_dma2 semaphore(%arg12 : memref<!tpu.dma_semaphore, #tpu.memory_space<semaphore_mem>>) src(%dma_wait3A_697 : memref<8x128xf32, #tpu.memory_space<vmem>>) dst(%dma_wait3A_694 : memref<8x128xf32, #tpu.memory_space<hbm>>)
      } else {
      }
      %mul3A_306 = arith.constant 0 : i32
      %mul3A_307 = vector.broadcast %mul3A_306 : i32 to vector<16xi32>
      %mul3A_308 = arith.muli %iota3A, %mul3A_307 : vector<16xi32>
      %parallel_loop3A = arith.constant 0 : i32
      %parallel_loop3A_309 = arith.constant 128 : i32
      %parallel_loop3A_310 = arith.constant 1 : i32
      %parallel_loop3A_311 = scf.for %parallel_loop3A_578 = %parallel_loop3A to %parallel_loop3A_309 step %parallel_loop3A_310 iter_args(%parallel_loop3A_579 = %mul3A_308) -> (vector<16xi32>)  : i32 {
        %parallel_loop3A_580 = arith.index_cast %parallel_loop3A_578 : i32 to index
        %parallel_loop3A_581 = arith.constant 0 : index
        %parallel_loop3A_582 = tpu.vector_load %arg6[%parallel_loop3A_580, %parallel_loop3A_581] {strides = array<i32>} : memref<128x64xf32, #tpu.memory_space<vmem>>, vector<16xf32>,
        tpu.vector_store_idx %arg8[%add3A_11, %parallel_loop3A_579], %parallel_loop3A_582 : memref<64x129xf32, #tpu.memory_space<vmem>>[vector<16xi32>, vector<16xi32>], vector<16xf32>,
        %parallel_loop3A_583 = arith.index_cast %parallel_loop3A_578 : i32 to index
        %parallel_loop3A_584 = arith.constant 16 : index
        %parallel_loop3A_585 = tpu.vector_load %arg6[%parallel_loop3A_583, %parallel_loop3A_584] {strides = array<i32>} : memref<128x64xf32, #tpu.memory_space<vmem>>, vector<16xf32>,
        tpu.vector_store_idx %arg8[%add3A_14, %parallel_loop3A_579], %parallel_loop3A_585 : memref<64x129xf32, #tpu.memory_space<vmem>>[vector<16xi32>, vector<16xi32>], vector<16xf32>,
        %parallel_loop3A_586 = arith.index_cast %parallel_loop3A_578 : i32 to index
        %parallel_loop3A_587 = arith.constant 32 : index
        %parallel_loop3A_588 = tpu.vector_load %arg6[%parallel_loop3A_586, %parallel_loop3A_587] {strides = array<i32>} : memref<128x64xf32, #tpu.memory_space<vmem>>, vector<16xf32>,
        tpu.vector_store_idx %arg8[%add3A_17, %parallel_loop3A_579], %parallel_loop3A_588 : memref<64x129xf32, #tpu.memory_space<vmem>>[vector<16xi32>, vector<16xi32>], vector<16xf32>,
        %parallel_loop3A_589 = arith.index_cast %parallel_loop3A_578 : i32 to index
        %parallel_loop3A_590 = arith.constant 48 : index
        %parallel_loop3A_591 = tpu.vector_load %arg6[%parallel_loop3A_589, %parallel_loop3A_590] {strides = array<i32>} : memref<128x64xf32, #tpu.memory_space<vmem>>, vector<16xf32>,
        tpu.vector_store_idx %arg8[%add3A_20, %parallel_loop3A_579], %parallel_loop3A_591 : memref<64x129xf32, #tpu.memory_space<vmem>>[vector<16xi32>, vector<16xi32>], vector<16xf32>,
        %parallel_loop3A_592 = arith.addi %parallel_loop3A_579, %add3A_8 : vector<16xi32>
        scf.yield %parallel_loop3A_592 : vector<16xi32>
      } {sc.loop_unroll_factor = 4 : i64, sc.parallel_access}
      %dma_start3A_312 = arith.constant 0 : i32
      %dma_start3A_313 = arith.constant 0 : i32
      %dma_start3A_314 = arith.constant 0 : i32
      %dma_start3A_315 = tpu.memref_slice %arg8[%dma_start3A_313, %dma_start3A_314] : memref<64x129xf32, #tpu.memory_space<vmem>> -> memref<8x128xf32, #tpu.memory_space<vmem>>
      %dma_start3A_316 = arith.constant 0 : i32
      %dma_start3A_317 = arith.constant 0 : i32
      %dma_start3A_318 = tpu.memref_slice %arg4[%mul3A_289, %dma_start3A_312, %add3A, %dma_start3A_316, %dma_start3A_317] : memref<200x8x32x8x128xf32, #tpu.memory_space<hbm>> -> memref<1x1x1x8x128xf32, #tpu.memory_space<hbm>>
      %dma_start3A_319 = tpu.memref_squeeze %dma_start3A_318 : memref<1x1x1x8x128xf32, #tpu.memory_space<hbm>> -> memref<8x128xf32, #tpu.memory_space<hbm>>
      %dma_start3A_320 = arith.constant 0 : i32
      %dma_start3A_321 = arith.constant 0 : i32
      %dma_start3A_322 = tpu.memref_slice %arg4[%mul3A_289, %dma_start3A_312, %add3A, %dma_start3A_320, %dma_start3A_321] : memref<200x8x32x8x128xf32, #tpu.memory_space<hbm>> -> memref<1x1x1x8x128xf32, #tpu.memory_space<hbm>>
      %dma_start3A_323 = tpu.memref_squeeze %dma_start3A_322 : memref<1x1x1x8x128xf32, #tpu.memory_space<hbm>> -> memref<8x128xf32, #tpu.memory_space<hbm>>
      %dma_start3A_324 = arith.constant 0 : i32
      %dma_start3A_325 = arith.constant 0 : i32
      %dma_start3A_326 = tpu.memref_slice %arg8[%dma_start3A_324, %dma_start3A_325] : memref<64x129xf32, #tpu.memory_space<vmem>> -> memref<8x128xf32, #tpu.memory_space<vmem>>
      tpu.enqueue_dma source(%dma_start3A_326 : memref<8x128xf32, #tpu.memory_space<vmem>>) target(%dma_start3A_323 : memref<8x128xf32, #tpu.memory_space<hbm>>) target_semaphore(%arg12 : memref<!tpu.dma_semaphore, #tpu.memory_space<semaphore_mem>>)
      %dma_start3A_327 = arith.constant 1 : i32
      %dma_start3A_328 = arith.constant 8 : i32
      %dma_start3A_329 = arith.constant 0 : i32
      %dma_start3A_330 = tpu.memref_slice %arg8[%dma_start3A_328, %dma_start3A_329] : memref<64x129xf32, #tpu.memory_space<vmem>> -> memref<8x128xf32, #tpu.memory_space<vmem>>
      %dma_start3A_331 = arith.constant 0 : i32
      %dma_start3A_332 = arith.constant 0 : i32
      %dma_start3A_333 = tpu.memref_slice %arg4[%mul3A_289, %dma_start3A_327, %add3A, %dma_start3A_331, %dma_start3A_332] : memref<200x8x32x8x128xf32, #tpu.memory_space<hbm>> -> memref<1x1x1x8x128xf32, #tpu.memory_space<hbm>>
      %dma_start3A_334 = tpu.memref_squeeze %dma_start3A_333 : memref<1x1x1x8x128xf32, #tpu.memory_space<hbm>> -> memref<8x128xf32, #tpu.memory_space<hbm>>
      %dma_start3A_335 = arith.constant 0 : i32
      %dma_start3A_336 = arith.constant 0 : i32
      %dma_start3A_337 = tpu.memref_slice %arg4[%mul3A_289, %dma_start3A_327, %add3A, %dma_start3A_335, %dma_start3A_336] : memref<200x8x32x8x128xf32, #tpu.memory_space<hbm>> -> memref<1x1x1x8x128xf32, #tpu.memory_space<hbm>>
      %dma_start3A_338 = tpu.memref_squeeze %dma_start3A_337 : memref<1x1x1x8x128xf32, #tpu.memory_space<hbm>> -> memref<8x128xf32, #tpu.memory_space<hbm>>
      %dma_start3A_339 = arith.constant 8 : i32
      %dma_start3A_340 = arith.constant 0 : i32
      %dma_start3A_341 = tpu.memref_slice %arg8[%dma_start3A_339, %dma_start3A_340] : memref<64x129xf32, #tpu.memory_space<vmem>> -> memref<8x128xf32, #tpu.memory_space<vmem>>
      tpu.enqueue_dma source(%dma_start3A_341 : memref<8x128xf32, #tpu.memory_space<vmem>>) target(%dma_start3A_338 : memref<8x128xf32, #tpu.memory_space<hbm>>) target_semaphore(%arg12 : memref<!tpu.dma_semaphore, #tpu.memory_space<semaphore_mem>>)
      %dma_start3A_342 = arith.constant 2 : i32
      %dma_start3A_343 = arith.constant 16 : i32
      %dma_start3A_344 = arith.constant 0 : i32
      %dma_start3A_345 = tpu.memref_slice %arg8[%dma_start3A_343, %dma_start3A_344] : memref<64x129xf32, #tpu.memory_space<vmem>> -> memref<8x128xf32, #tpu.memory_space<vmem>>
      %dma_start3A_346 = arith.constant 0 : i32
      %dma_start3A_347 = arith.constant 0 : i32
      %dma_start3A_348 = tpu.memref_slice %arg4[%mul3A_289, %dma_start3A_342, %add3A, %dma_start3A_346, %dma_start3A_347] : memref<200x8x32x8x128xf32, #tpu.memory_space<hbm>> -> memref<1x1x1x8x128xf32, #tpu.memory_space<hbm>>
      %dma_start3A_349 = tpu.memref_squeeze %dma_start3A_348 : memref<1x1x1x8x128xf32, #tpu.memory_space<hbm>> -> memref<8x128xf32, #tpu.memory_space<hbm>>
      %dma_start3A_350 = arith.constant 0 : i32
      %dma_start3A_351 = arith.constant 0 : i32
      %dma_start3A_352 = tpu.memref_slice %arg4[%mul3A_289, %dma_start3A_342, %add3A, %dma_start3A_350, %dma_start3A_351] : memref<200x8x32x8x128xf32, #tpu.memory_space<hbm>> -> memref<1x1x1x8x128xf32, #tpu.memory_space<hbm>>
      %dma_start3A_353 = tpu.memref_squeeze %dma_start3A_352 : memref<1x1x1x8x128xf32, #tpu.memory_space<hbm>> -> memref<8x128xf32, #tpu.memory_space<hbm>>
      %dma_start3A_354 = arith.constant 16 : i32
      %dma_start3A_355 = arith.constant 0 : i32
      %dma_start3A_356 = tpu.memref_slice %arg8[%dma_start3A_354, %dma_start3A_355] : memref<64x129xf32, #tpu.memory_space<vmem>> -> memref<8x128xf32, #tpu.memory_space<vmem>>
      tpu.enqueue_dma source(%dma_start3A_356 : memref<8x128xf32, #tpu.memory_space<vmem>>) target(%dma_start3A_353 : memref<8x128xf32, #tpu.memory_space<hbm>>) target_semaphore(%arg12 : memref<!tpu.dma_semaphore, #tpu.memory_space<semaphore_mem>>)
      %dma_start3A_357 = arith.constant 3 : i32
      %dma_start3A_358 = arith.constant 24 : i32
      %dma_start3A_359 = arith.constant 0 : i32
      %dma_start3A_360 = tpu.memref_slice %arg8[%dma_start3A_358, %dma_start3A_359] : memref<64x129xf32, #tpu.memory_space<vmem>> -> memref<8x128xf32, #tpu.memory_space<vmem>>
      %dma_start3A_361 = arith.constant 0 : i32
      %dma_start3A_362 = arith.constant 0 : i32
      %dma_start3A_363 = tpu.memref_slice %arg4[%mul3A_289, %dma_start3A_357, %add3A, %dma_start3A_361, %dma_start3A_362] : memref<200x8x32x8x128xf32, #tpu.memory_space<hbm>> -> memref<1x1x1x8x128xf32, #tpu.memory_space<hbm>>
      %dma_start3A_364 = tpu.memref_squeeze %dma_start3A_363 : memref<1x1x1x8x128xf32, #tpu.memory_space<hbm>> -> memref<8x128xf32, #tpu.memory_space<hbm>>
      %dma_start3A_365 = arith.constant 0 : i32
      %dma_start3A_366 = arith.constant 0 : i32
      %dma_start3A_367 = tpu.memref_slice %arg4[%mul3A_289, %dma_start3A_357, %add3A, %dma_start3A_365, %dma_start3A_366] : memref<200x8x32x8x128xf32, #tpu.memory_space<hbm>> -> memref<1x1x1x8x128xf32, #tpu.memory_space<hbm>>
      %dma_start3A_368 = tpu.memref_squeeze %dma_start3A_367 : memref<1x1x1x8x128xf32, #tpu.memory_space<hbm>> -> memref<8x128xf32, #tpu.memory_space<hbm>>
      %dma_start3A_369 = arith.constant 24 : i32
      %dma_start3A_370 = arith.constant 0 : i32
      %dma_start3A_371 = tpu.memref_slice %arg8[%dma_start3A_369, %dma_start3A_370] : memref<64x129xf32, #tpu.memory_space<vmem>> -> memref<8x128xf32, #tpu.memory_space<vmem>>
      tpu.enqueue_dma source(%dma_start3A_371 : memref<8x128xf32, #tpu.memory_space<vmem>>) target(%dma_start3A_368 : memref<8x128xf32, #tpu.memory_space<hbm>>) target_semaphore(%arg12 : memref<!tpu.dma_semaphore, #tpu.memory_space<semaphore_mem>>)
      %dma_start3A_372 = arith.constant 4 : i32
      %dma_start3A_373 = arith.constant 32 : i32
      %dma_start3A_374 = arith.constant 0 : i32
      %dma_start3A_375 = tpu.memref_slice %arg8[%dma_start3A_373, %dma_start3A_374] : memref<64x129xf32, #tpu.memory_space<vmem>> -> memref<8x128xf32, #tpu.memory_space<vmem>>
      %dma_start3A_376 = arith.constant 0 : i32
      %dma_start3A_377 = arith.constant 0 : i32
      %dma_start3A_378 = tpu.memref_slice %arg4[%mul3A_289, %dma_start3A_372, %add3A, %dma_start3A_376, %dma_start3A_377] : memref<200x8x32x8x128xf32, #tpu.memory_space<hbm>> -> memref<1x1x1x8x128xf32, #tpu.memory_space<hbm>>
      %dma_start3A_379 = tpu.memref_squeeze %dma_start3A_378 : memref<1x1x1x8x128xf32, #tpu.memory_space<hbm>> -> memref<8x128xf32, #tpu.memory_space<hbm>>
      %dma_start3A_380 = arith.constant 0 : i32
      %dma_start3A_381 = arith.constant 0 : i32
      %dma_start3A_382 = tpu.memref_slice %arg4[%mul3A_289, %dma_start3A_372, %add3A, %dma_start3A_380, %dma_start3A_381] : memref<200x8x32x8x128xf32, #tpu.memory_space<hbm>> -> memref<1x1x1x8x128xf32, #tpu.memory_space<hbm>>
      %dma_start3A_383 = tpu.memref_squeeze %dma_start3A_382 : memref<1x1x1x8x128xf32, #tpu.memory_space<hbm>> -> memref<8x128xf32, #tpu.memory_space<hbm>>
      %dma_start3A_384 = arith.constant 32 : i32
      %dma_start3A_385 = arith.constant 0 : i32
      %dma_start3A_386 = tpu.memref_slice %arg8[%dma_start3A_384, %dma_start3A_385] : memref<64x129xf32, #tpu.memory_space<vmem>> -> memref<8x128xf32, #tpu.memory_space<vmem>>
      tpu.enqueue_dma source(%dma_start3A_386 : memref<8x128xf32, #tpu.memory_space<vmem>>) target(%dma_start3A_383 : memref<8x128xf32, #tpu.memory_space<hbm>>) target_semaphore(%arg12 : memref<!tpu.dma_semaphore, #tpu.memory_space<semaphore_mem>>)
      %dma_start3A_387 = arith.constant 5 : i32
      %dma_start3A_388 = arith.constant 40 : i32
      %dma_start3A_389 = arith.constant 0 : i32
      %dma_start3A_390 = tpu.memref_slice %arg8[%dma_start3A_388, %dma_start3A_389] : memref<64x129xf32, #tpu.memory_space<vmem>> -> memref<8x128xf32, #tpu.memory_space<vmem>>
      %dma_start3A_391 = arith.constant 0 : i32
      %dma_start3A_392 = arith.constant 0 : i32
      %dma_start3A_393 = tpu.memref_slice %arg4[%mul3A_289, %dma_start3A_387, %add3A, %dma_start3A_391, %dma_start3A_392] : memref<200x8x32x8x128xf32, #tpu.memory_space<hbm>> -> memref<1x1x1x8x128xf32, #tpu.memory_space<hbm>>
      %dma_start3A_394 = tpu.memref_squeeze %dma_start3A_393 : memref<1x1x1x8x128xf32, #tpu.memory_space<hbm>> -> memref<8x128xf32, #tpu.memory_space<hbm>>
      %dma_start3A_395 = arith.constant 0 : i32
      %dma_start3A_396 = arith.constant 0 : i32
      %dma_start3A_397 = tpu.memref_slice %arg4[%mul3A_289, %dma_start3A_387, %add3A, %dma_start3A_395, %dma_start3A_396] : memref<200x8x32x8x128xf32, #tpu.memory_space<hbm>> -> memref<1x1x1x8x128xf32, #tpu.memory_space<hbm>>
      %dma_start3A_398 = tpu.memref_squeeze %dma_start3A_397 : memref<1x1x1x8x128xf32, #tpu.memory_space<hbm>> -> memref<8x128xf32, #tpu.memory_space<hbm>>
      %dma_start3A_399 = arith.constant 40 : i32
      %dma_start3A_400 = arith.constant 0 : i32
      %dma_start3A_401 = tpu.memref_slice %arg8[%dma_start3A_399, %dma_start3A_400] : memref<64x129xf32, #tpu.memory_space<vmem>> -> memref<8x128xf32, #tpu.memory_space<vmem>>
      tpu.enqueue_dma source(%dma_start3A_401 : memref<8x128xf32, #tpu.memory_space<vmem>>) target(%dma_start3A_398 : memref<8x128xf32, #tpu.memory_space<hbm>>) target_semaphore(%arg12 : memref<!tpu.dma_semaphore, #tpu.memory_space<semaphore_mem>>)
      %dma_start3A_402 = arith.constant 6 : i32
      %dma_start3A_403 = arith.constant 48 : i32
      %dma_start3A_404 = arith.constant 0 : i32
      %dma_start3A_405 = tpu.memref_slice %arg8[%dma_start3A_403, %dma_start3A_404] : memref<64x129xf32, #tpu.memory_space<vmem>> -> memref<8x128xf32, #tpu.memory_space<vmem>>
      %dma_start3A_406 = arith.constant 0 : i32
      %dma_start3A_407 = arith.constant 0 : i32
      %dma_start3A_408 = tpu.memref_slice %arg4[%mul3A_289, %dma_start3A_402, %add3A, %dma_start3A_406, %dma_start3A_407] : memref<200x8x32x8x128xf32, #tpu.memory_space<hbm>> -> memref<1x1x1x8x128xf32, #tpu.memory_space<hbm>>
      %dma_start3A_409 = tpu.memref_squeeze %dma_start3A_408 : memref<1x1x1x8x128xf32, #tpu.memory_space<hbm>> -> memref<8x128xf32, #tpu.memory_space<hbm>>
      %dma_start3A_410 = arith.constant 0 : i32
      %dma_start3A_411 = arith.constant 0 : i32
      %dma_start3A_412 = tpu.memref_slice %arg4[%mul3A_289, %dma_start3A_402, %add3A, %dma_start3A_410, %dma_start3A_411] : memref<200x8x32x8x128xf32, #tpu.memory_space<hbm>> -> memref<1x1x1x8x128xf32, #tpu.memory_space<hbm>>
      %dma_start3A_413 = tpu.memref_squeeze %dma_start3A_412 : memref<1x1x1x8x128xf32, #tpu.memory_space<hbm>> -> memref<8x128xf32, #tpu.memory_space<hbm>>
      %dma_start3A_414 = arith.constant 48 : i32
      %dma_start3A_415 = arith.constant 0 : i32
      %dma_start3A_416 = tpu.memref_slice %arg8[%dma_start3A_414, %dma_start3A_415] : memref<64x129xf32, #tpu.memory_space<vmem>> -> memref<8x128xf32, #tpu.memory_space<vmem>>
      tpu.enqueue_dma source(%dma_start3A_416 : memref<8x128xf32, #tpu.memory_space<vmem>>) target(%dma_start3A_413 : memref<8x128xf32, #tpu.memory_space<hbm>>) target_semaphore(%arg12 : memref<!tpu.dma_semaphore, #tpu.memory_space<semaphore_mem>>)
      %dma_start3A_417 = arith.constant 7 : i32
      %dma_start3A_418 = arith.constant 56 : i32
      %dma_start3A_419 = arith.constant 0 : i32
      %dma_start3A_420 = tpu.memref_slice %arg8[%dma_start3A_418, %dma_start3A_419] : memref<64x129xf32, #tpu.memory_space<vmem>> -> memref<8x128xf32, #tpu.memory_space<vmem>>
      %dma_start3A_421 = arith.constant 0 : i32
      %dma_start3A_422 = arith.constant 0 : i32
      %dma_start3A_423 = tpu.memref_slice %arg4[%mul3A_289, %dma_start3A_417, %add3A, %dma_start3A_421, %dma_start3A_422] : memref<200x8x32x8x128xf32, #tpu.memory_space<hbm>> -> memref<1x1x1x8x128xf32, #tpu.memory_space<hbm>>
      %dma_start3A_424 = tpu.memref_squeeze %dma_start3A_423 : memref<1x1x1x8x128xf32, #tpu.memory_space<hbm>> -> memref<8x128xf32, #tpu.memory_space<hbm>>
      %dma_start3A_425 = arith.constant 0 : i32
      %dma_start3A_426 = arith.constant 0 : i32
      %dma_start3A_427 = tpu.memref_slice %arg4[%mul3A_289, %dma_start3A_417, %add3A, %dma_start3A_425, %dma_start3A_426] : memref<200x8x32x8x128xf32, #tpu.memory_space<hbm>> -> memref<1x1x1x8x128xf32, #tpu.memory_space<hbm>>
      %dma_start3A_428 = tpu.memref_squeeze %dma_start3A_427 : memref<1x1x1x8x128xf32, #tpu.memory_space<hbm>> -> memref<8x128xf32, #tpu.memory_space<hbm>>
      %dma_start3A_429 = arith.constant 56 : i32
      %dma_start3A_430 = arith.constant 0 : i32
      %dma_start3A_431 = tpu.memref_slice %arg8[%dma_start3A_429, %dma_start3A_430] : memref<64x129xf32, #tpu.memory_space<vmem>> -> memref<8x128xf32, #tpu.memory_space<vmem>>
      tpu.enqueue_dma source(%dma_start3A_431 : memref<8x128xf32, #tpu.memory_space<vmem>>) target(%dma_start3A_428 : memref<8x128xf32, #tpu.memory_space<hbm>>) target_semaphore(%arg12 : memref<!tpu.dma_semaphore, #tpu.memory_space<semaphore_mem>>)
      %lt3A = arith.constant 99 : i32
      %lt3A_432 = arith.cmpi slt, %scan3A_287, %lt3A : i32
      %convert_element_type3A_433 = arith.extui %lt3A_432 : i1 to i32
      %cond3A_434 = arith.constant 0 : i32
      %cond3A_435 = arith.cmpi ne, %convert_element_type3A_433, %cond3A_434 : i32
      scf.if %cond3A_435 {
        %add3A_578 = arith.constant 2 : i32
        %add3A_579 = arith.addi %mul3A_289, %add3A_578 : i32
        %dma_start3A_580 = arith.constant 0 : i32
        %dma_start3A_581 = tpu.memref_slice %arg5[%add3A_579, %dma_start3A_580] : memref<200x128xi32, #tpu.memory_space<vmem>> -> memref<1x128xi32, #tpu.memory_space<vmem>>
        %dma_start3A_582 = tpu.memref_squeeze %dma_start3A_581 : memref<1x128xi32, #tpu.memory_space<vmem>> -> memref<128xi32, #tpu.memory_space<vmem>>
        %dma_start3A_583 = arith.constant 0 : i32
        %dma_start3A_584 = arith.constant 0 : i32
        %dma_start3A_585 = tpu.memref_slice %arg2[%dma_start3A_583, %dma_start3A_584] : memref<1000000x64xf32, #tpu.memory_space<hbm>> -> memref<1000000x64xf32, #tpu.memory_space<hbm>>
        tpu.enqueue_indirect_dma source(%dma_start3A_585 : memref<1000000x64xf32, #tpu.memory_space<hbm>>) target(%arg6 : memref<128x64xf32, #tpu.memory_space<vmem>>) offsets(%dma_start3A_582 : memref<128xi32, #tpu.memory_space<vmem>>) semaphore(%arg10 : memref<!tpu.dma_semaphore, #tpu.memory_space<semaphore_mem>>)
      } else {
      }
      %add3A_436 = arith.constant 1 : i32
      %add3A_437 = arith.addi %mul3A_289, %add3A_436 : i32
      %dma_wait3A_438 = arith.constant 0 : i32
      %dma_wait3A_439 = tpu.memref_slice %arg5[%add3A_437, %dma_wait3A_438] : memref<200x128xi32, #tpu.memory_space<vmem>> -> memref<1x128xi32, #tpu.memory_space<vmem>>
      %dma_wait3A_440 = tpu.memref_squeeze %dma_wait3A_439 : memref<1x128xi32, #tpu.memory_space<vmem>> -> memref<128xi32, #tpu.memory_space<vmem>>
      %dma_wait3A_441 = arith.constant 0 : i32
      %dma_wait3A_442 = arith.constant 0 : i32
      %dma_wait3A_443 = tpu.memref_slice %arg2[%dma_wait3A_441, %dma_wait3A_442] : memref<1000000x64xf32, #tpu.memory_space<hbm>> -> memref<1000000x64xf32, #tpu.memory_space<hbm>>
      tpu.wait_indirect_dma semaphore(%arg11 : memref<!tpu.dma_semaphore, #tpu.memory_space<semaphore_mem>>) src(%dma_wait3A_443 : memref<1000000x64xf32, #tpu.memory_space<hbm>>) dst(%arg7 : memref<128x64xf32, #tpu.memory_space<vmem>>)
      %gt3A_444 = arith.constant 0 : i32
      %gt3A_445 = arith.cmpi sgt, %scan3A_287, %gt3A_444 : i32
      %convert_element_type3A_446 = arith.extui %gt3A_445 : i1 to i32
      %cond3A_447 = arith.constant 0 : i32
      %cond3A_448 = arith.cmpi ne, %convert_element_type3A_446, %cond3A_447 : i32
      scf.if %cond3A_448 {
        %dma_wait3A_578 = arith.constant 0 : i32
        %dma_wait3A_579 = arith.constant 0 : i32
        %dma_wait3A_580 = arith.constant 0 : i32
        %dma_wait3A_581 = tpu.memref_slice %arg9[%dma_wait3A_579, %dma_wait3A_580] : memref<64x129xf32, #tpu.memory_space<vmem>> -> memref<8x128xf32, #tpu.memory_space<vmem>>
        %dma_wait3A_582 = arith.constant 0 : i32
        %dma_wait3A_583 = arith.constant 0 : i32
        %dma_wait3A_584 = tpu.memref_slice %arg4[%mul3A_289, %dma_wait3A_578, %add3A, %dma_wait3A_582, %dma_wait3A_583] : memref<200x8x32x8x128xf32, #tpu.memory_space<hbm>> -> memref<1x1x1x8x128xf32, #tpu.memory_space<hbm>>
        %dma_wait3A_585 = tpu.memref_squeeze %dma_wait3A_584 : memref<1x1x1x8x128xf32, #tpu.memory_space<hbm>> -> memref<8x128xf32, #tpu.memory_space<hbm>>
        %dma_wait3A_586 = arith.constant 0 : i32
        %dma_wait3A_587 = arith.constant 0 : i32
        %dma_wait3A_588 = tpu.memref_slice %arg4[%mul3A_289, %dma_wait3A_578, %add3A, %dma_wait3A_586, %dma_wait3A_587] : memref<200x8x32x8x128xf32, #tpu.memory_space<hbm>> -> memref<1x1x1x8x128xf32, #tpu.memory_space<hbm>>
        %dma_wait3A_589 = tpu.memref_squeeze %dma_wait3A_588 : memref<1x1x1x8x128xf32, #tpu.memory_space<hbm>> -> memref<8x128xf32, #tpu.memory_space<hbm>>
        %dma_wait3A_590 = arith.constant 0 : i32
        %dma_wait3A_591 = arith.constant 0 : i32
        %dma_wait3A_592 = tpu.memref_slice %arg9[%dma_wait3A_590, %dma_wait3A_591] : memref<64x129xf32, #tpu.memory_space<vmem>> -> memref<8x128xf32, #tpu.memory_space<vmem>>
        tpu.wait_dma2 semaphore(%arg13 : memref<!tpu.dma_semaphore, #tpu.memory_space<semaphore_mem>>) src(%dma_wait3A_592 : memref<8x128xf32, #tpu.memory_space<vmem>>) dst(%dma_wait3A_589 : memref<8x128xf32, #tpu.memory_space<hbm>>)
        %dma_wait3A_593 = arith.constant 1 : i32
        %dma_wait3A_594 = arith.constant 8 : i32
        %dma_wait3A_595 = arith.constant 0 : i32
        %dma_wait3A_596 = tpu.memref_slice %arg9[%dma_wait3A_594, %dma_wait3A_595] : memref<64x129xf32, #tpu.memory_space<vmem>> -> memref<8x128xf32, #tpu.memory_space<vmem>>
        %dma_wait3A_597 = arith.constant 0 : i32
        %dma_wait3A_598 = arith.constant 0 : i32
        %dma_wait3A_599 = tpu.memref_slice %arg4[%mul3A_289, %dma_wait3A_593, %add3A, %dma_wait3A_597, %dma_wait3A_598] : memref<200x8x32x8x128xf32, #tpu.memory_space<hbm>> -> memref<1x1x1x8x128xf32, #tpu.memory_space<hbm>>
        %dma_wait3A_600 = tpu.memref_squeeze %dma_wait3A_599 : memref<1x1x1x8x128xf32, #tpu.memory_space<hbm>> -> memref<8x128xf32, #tpu.memory_space<hbm>>
        %dma_wait3A_601 = arith.constant 0 : i32
        %dma_wait3A_602 = arith.constant 0 : i32
        %dma_wait3A_603 = tpu.memref_slice %arg4[%mul3A_289, %dma_wait3A_593, %add3A, %dma_wait3A_601, %dma_wait3A_602] : memref<200x8x32x8x128xf32, #tpu.memory_space<hbm>> -> memref<1x1x1x8x128xf32, #tpu.memory_space<hbm>>
        %dma_wait3A_604 = tpu.memref_squeeze %dma_wait3A_603 : memref<1x1x1x8x128xf32, #tpu.memory_space<hbm>> -> memref<8x128xf32, #tpu.memory_space<hbm>>
        %dma_wait3A_605 = arith.constant 8 : i32
        %dma_wait3A_606 = arith.constant 0 : i32
        %dma_wait3A_607 = tpu.memref_slice %arg9[%dma_wait3A_605, %dma_wait3A_606] : memref<64x129xf32, #tpu.memory_space<vmem>> -> memref<8x128xf32, #tpu.memory_space<vmem>>
        tpu.wait_dma2 semaphore(%arg13 : memref<!tpu.dma_semaphore, #tpu.memory_space<semaphore_mem>>) src(%dma_wait3A_607 : memref<8x128xf32, #tpu.memory_space<vmem>>) dst(%dma_wait3A_604 : memref<8x128xf32, #tpu.memory_space<hbm>>)
        %dma_wait3A_608 = arith.constant 2 : i32
        %dma_wait3A_609 = arith.constant 16 : i32
        %dma_wait3A_610 = arith.constant 0 : i32
        %dma_wait3A_611 = tpu.memref_slice %arg9[%dma_wait3A_609, %dma_wait3A_610] : memref<64x129xf32, #tpu.memory_space<vmem>> -> memref<8x128xf32, #tpu.memory_space<vmem>>
        %dma_wait3A_612 = arith.constant 0 : i32
        %dma_wait3A_613 = arith.constant 0 : i32
        %dma_wait3A_614 = tpu.memref_slice %arg4[%mul3A_289, %dma_wait3A_608, %add3A, %dma_wait3A_612, %dma_wait3A_613] : memref<200x8x32x8x128xf32, #tpu.memory_space<hbm>> -> memref<1x1x1x8x128xf32, #tpu.memory_space<hbm>>
        %dma_wait3A_615 = tpu.memref_squeeze %dma_wait3A_614 : memref<1x1x1x8x128xf32, #tpu.memory_space<hbm>> -> memref<8x128xf32, #tpu.memory_space<hbm>>
        %dma_wait3A_616 = arith.constant 0 : i32
        %dma_wait3A_617 = arith.constant 0 : i32
        %dma_wait3A_618 = tpu.memref_slice %arg4[%mul3A_289, %dma_wait3A_608, %add3A, %dma_wait3A_616, %dma_wait3A_617] : memref<200x8x32x8x128xf32, #tpu.memory_space<hbm>> -> memref<1x1x1x8x128xf32, #tpu.memory_space<hbm>>
        %dma_wait3A_619 = tpu.memref_squeeze %dma_wait3A_618 : memref<1x1x1x8x128xf32, #tpu.memory_space<hbm>> -> memref<8x128xf32, #tpu.memory_space<hbm>>
        %dma_wait3A_620 = arith.constant 16 : i32
        %dma_wait3A_621 = arith.constant 0 : i32
        %dma_wait3A_622 = tpu.memref_slice %arg9[%dma_wait3A_620, %dma_wait3A_621] : memref<64x129xf32, #tpu.memory_space<vmem>> -> memref<8x128xf32, #tpu.memory_space<vmem>>
        tpu.wait_dma2 semaphore(%arg13 : memref<!tpu.dma_semaphore, #tpu.memory_space<semaphore_mem>>) src(%dma_wait3A_622 : memref<8x128xf32, #tpu.memory_space<vmem>>) dst(%dma_wait3A_619 : memref<8x128xf32, #tpu.memory_space<hbm>>)
        %dma_wait3A_623 = arith.constant 3 : i32
        %dma_wait3A_624 = arith.constant 24 : i32
        %dma_wait3A_625 = arith.constant 0 : i32
        %dma_wait3A_626 = tpu.memref_slice %arg9[%dma_wait3A_624, %dma_wait3A_625] : memref<64x129xf32, #tpu.memory_space<vmem>> -> memref<8x128xf32, #tpu.memory_space<vmem>>
        %dma_wait3A_627 = arith.constant 0 : i32
        %dma_wait3A_628 = arith.constant 0 : i32
        %dma_wait3A_629 = tpu.memref_slice %arg4[%mul3A_289, %dma_wait3A_623, %add3A, %dma_wait3A_627, %dma_wait3A_628] : memref<200x8x32x8x128xf32, #tpu.memory_space<hbm>> -> memref<1x1x1x8x128xf32, #tpu.memory_space<hbm>>
        %dma_wait3A_630 = tpu.memref_squeeze %dma_wait3A_629 : memref<1x1x1x8x128xf32, #tpu.memory_space<hbm>> -> memref<8x128xf32, #tpu.memory_space<hbm>>
        %dma_wait3A_631 = arith.constant 0 : i32
        %dma_wait3A_632 = arith.constant 0 : i32
        %dma_wait3A_633 = tpu.memref_slice %arg4[%mul3A_289, %dma_wait3A_623, %add3A, %dma_wait3A_631, %dma_wait3A_632] : memref<200x8x32x8x128xf32, #tpu.memory_space<hbm>> -> memref<1x1x1x8x128xf32, #tpu.memory_space<hbm>>
        %dma_wait3A_634 = tpu.memref_squeeze %dma_wait3A_633 : memref<1x1x1x8x128xf32, #tpu.memory_space<hbm>> -> memref<8x128xf32, #tpu.memory_space<hbm>>
        %dma_wait3A_635 = arith.constant 24 : i32
        %dma_wait3A_636 = arith.constant 0 : i32
        %dma_wait3A_637 = tpu.memref_slice %arg9[%dma_wait3A_635, %dma_wait3A_636] : memref<64x129xf32, #tpu.memory_space<vmem>> -> memref<8x128xf32, #tpu.memory_space<vmem>>
        tpu.wait_dma2 semaphore(%arg13 : memref<!tpu.dma_semaphore, #tpu.memory_space<semaphore_mem>>) src(%dma_wait3A_637 : memref<8x128xf32, #tpu.memory_space<vmem>>) dst(%dma_wait3A_634 : memref<8x128xf32, #tpu.memory_space<hbm>>)
        %dma_wait3A_638 = arith.constant 4 : i32
        %dma_wait3A_639 = arith.constant 32 : i32
        %dma_wait3A_640 = arith.constant 0 : i32
        %dma_wait3A_641 = tpu.memref_slice %arg9[%dma_wait3A_639, %dma_wait3A_640] : memref<64x129xf32, #tpu.memory_space<vmem>> -> memref<8x128xf32, #tpu.memory_space<vmem>>
        %dma_wait3A_642 = arith.constant 0 : i32
        %dma_wait3A_643 = arith.constant 0 : i32
        %dma_wait3A_644 = tpu.memref_slice %arg4[%mul3A_289, %dma_wait3A_638, %add3A, %dma_wait3A_642, %dma_wait3A_643] : memref<200x8x32x8x128xf32, #tpu.memory_space<hbm>> -> memref<1x1x1x8x128xf32, #tpu.memory_space<hbm>>
        %dma_wait3A_645 = tpu.memref_squeeze %dma_wait3A_644 : memref<1x1x1x8x128xf32, #tpu.memory_space<hbm>> -> memref<8x128xf32, #tpu.memory_space<hbm>>
        %dma_wait3A_646 = arith.constant 0 : i32
        %dma_wait3A_647 = arith.constant 0 : i32
        %dma_wait3A_648 = tpu.memref_slice %arg4[%mul3A_289, %dma_wait3A_638, %add3A, %dma_wait3A_646, %dma_wait3A_647] : memref<200x8x32x8x128xf32, #tpu.memory_space<hbm>> -> memref<1x1x1x8x128xf32, #tpu.memory_space<hbm>>
        %dma_wait3A_649 = tpu.memref_squeeze %dma_wait3A_648 : memref<1x1x1x8x128xf32, #tpu.memory_space<hbm>> -> memref<8x128xf32, #tpu.memory_space<hbm>>
        %dma_wait3A_650 = arith.constant 32 : i32
        %dma_wait3A_651 = arith.constant 0 : i32
        %dma_wait3A_652 = tpu.memref_slice %arg9[%dma_wait3A_650, %dma_wait3A_651] : memref<64x129xf32, #tpu.memory_space<vmem>> -> memref<8x128xf32, #tpu.memory_space<vmem>>
        tpu.wait_dma2 semaphore(%arg13 : memref<!tpu.dma_semaphore, #tpu.memory_space<semaphore_mem>>) src(%dma_wait3A_652 : memref<8x128xf32, #tpu.memory_space<vmem>>) dst(%dma_wait3A_649 : memref<8x128xf32, #tpu.memory_space<hbm>>)
        %dma_wait3A_653 = arith.constant 5 : i32
        %dma_wait3A_654 = arith.constant 40 : i32
        %dma_wait3A_655 = arith.constant 0 : i32
        %dma_wait3A_656 = tpu.memref_slice %arg9[%dma_wait3A_654, %dma_wait3A_655] : memref<64x129xf32, #tpu.memory_space<vmem>> -> memref<8x128xf32, #tpu.memory_space<vmem>>
        %dma_wait3A_657 = arith.constant 0 : i32
        %dma_wait3A_658 = arith.constant 0 : i32
        %dma_wait3A_659 = tpu.memref_slice %arg4[%mul3A_289, %dma_wait3A_653, %add3A, %dma_wait3A_657, %dma_wait3A_658] : memref<200x8x32x8x128xf32, #tpu.memory_space<hbm>> -> memref<1x1x1x8x128xf32, #tpu.memory_space<hbm>>
        %dma_wait3A_660 = tpu.memref_squeeze %dma_wait3A_659 : memref<1x1x1x8x128xf32, #tpu.memory_space<hbm>> -> memref<8x128xf32, #tpu.memory_space<hbm>>
        %dma_wait3A_661 = arith.constant 0 : i32
        %dma_wait3A_662 = arith.constant 0 : i32
        %dma_wait3A_663 = tpu.memref_slice %arg4[%mul3A_289, %dma_wait3A_653, %add3A, %dma_wait3A_661, %dma_wait3A_662] : memref<200x8x32x8x128xf32, #tpu.memory_space<hbm>> -> memref<1x1x1x8x128xf32, #tpu.memory_space<hbm>>
        %dma_wait3A_664 = tpu.memref_squeeze %dma_wait3A_663 : memref<1x1x1x8x128xf32, #tpu.memory_space<hbm>> -> memref<8x128xf32, #tpu.memory_space<hbm>>
        %dma_wait3A_665 = arith.constant 40 : i32
        %dma_wait3A_666 = arith.constant 0 : i32
        %dma_wait3A_667 = tpu.memref_slice %arg9[%dma_wait3A_665, %dma_wait3A_666] : memref<64x129xf32, #tpu.memory_space<vmem>> -> memref<8x128xf32, #tpu.memory_space<vmem>>
        tpu.wait_dma2 semaphore(%arg13 : memref<!tpu.dma_semaphore, #tpu.memory_space<semaphore_mem>>) src(%dma_wait3A_667 : memref<8x128xf32, #tpu.memory_space<vmem>>) dst(%dma_wait3A_664 : memref<8x128xf32, #tpu.memory_space<hbm>>)
        %dma_wait3A_668 = arith.constant 6 : i32
        %dma_wait3A_669 = arith.constant 48 : i32
        %dma_wait3A_670 = arith.constant 0 : i32
        %dma_wait3A_671 = tpu.memref_slice %arg9[%dma_wait3A_669, %dma_wait3A_670] : memref<64x129xf32, #tpu.memory_space<vmem>> -> memref<8x128xf32, #tpu.memory_space<vmem>>
        %dma_wait3A_672 = arith.constant 0 : i32
        %dma_wait3A_673 = arith.constant 0 : i32
        %dma_wait3A_674 = tpu.memref_slice %arg4[%mul3A_289, %dma_wait3A_668, %add3A, %dma_wait3A_672, %dma_wait3A_673] : memref<200x8x32x8x128xf32, #tpu.memory_space<hbm>> -> memref<1x1x1x8x128xf32, #tpu.memory_space<hbm>>
        %dma_wait3A_675 = tpu.memref_squeeze %dma_wait3A_674 : memref<1x1x1x8x128xf32, #tpu.memory_space<hbm>> -> memref<8x128xf32, #tpu.memory_space<hbm>>
        %dma_wait3A_676 = arith.constant 0 : i32
        %dma_wait3A_677 = arith.constant 0 : i32
        %dma_wait3A_678 = tpu.memref_slice %arg4[%mul3A_289, %dma_wait3A_668, %add3A, %dma_wait3A_676, %dma_wait3A_677] : memref<200x8x32x8x128xf32, #tpu.memory_space<hbm>> -> memref<1x1x1x8x128xf32, #tpu.memory_space<hbm>>
        %dma_wait3A_679 = tpu.memref_squeeze %dma_wait3A_678 : memref<1x1x1x8x128xf32, #tpu.memory_space<hbm>> -> memref<8x128xf32, #tpu.memory_space<hbm>>
        %dma_wait3A_680 = arith.constant 48 : i32
        %dma_wait3A_681 = arith.constant 0 : i32
        %dma_wait3A_682 = tpu.memref_slice %arg9[%dma_wait3A_680, %dma_wait3A_681] : memref<64x129xf32, #tpu.memory_space<vmem>> -> memref<8x128xf32, #tpu.memory_space<vmem>>
        tpu.wait_dma2 semaphore(%arg13 : memref<!tpu.dma_semaphore, #tpu.memory_space<semaphore_mem>>) src(%dma_wait3A_682 : memref<8x128xf32, #tpu.memory_space<vmem>>) dst(%dma_wait3A_679 : memref<8x128xf32, #tpu.memory_space<hbm>>)
        %dma_wait3A_683 = arith.constant 7 : i32
        %dma_wait3A_684 = arith.constant 56 : i32
        %dma_wait3A_685 = arith.constant 0 : i32
        %dma_wait3A_686 = tpu.memref_slice %arg9[%dma_wait3A_684, %dma_wait3A_685] : memref<64x129xf32, #tpu.memory_space<vmem>> -> memref<8x128xf32, #tpu.memory_space<vmem>>
        %dma_wait3A_687 = arith.constant 0 : i32
        %dma_wait3A_688 = arith.constant 0 : i32
        %dma_wait3A_689 = tpu.memref_slice %arg4[%mul3A_289, %dma_wait3A_683, %add3A, %dma_wait3A_687, %dma_wait3A_688] : memref<200x8x32x8x128xf32, #tpu.memory_space<hbm>> -> memref<1x1x1x8x128xf32, #tpu.memory_space<hbm>>
        %dma_wait3A_690 = tpu.memref_squeeze %dma_wait3A_689 : memref<1x1x1x8x128xf32, #tpu.memory_space<hbm>> -> memref<8x128xf32, #tpu.memory_space<hbm>>
        %dma_wait3A_691 = arith.constant 0 : i32
        %dma_wait3A_692 = arith.constant 0 : i32
        %dma_wait3A_693 = tpu.memref_slice %arg4[%mul3A_289, %dma_wait3A_683, %add3A, %dma_wait3A_691, %dma_wait3A_692] : memref<200x8x32x8x128xf32, #tpu.memory_space<hbm>> -> memref<1x1x1x8x128xf32, #tpu.memory_space<hbm>>
        %dma_wait3A_694 = tpu.memref_squeeze %dma_wait3A_693 : memref<1x1x1x8x128xf32, #tpu.memory_space<hbm>> -> memref<8x128xf32, #tpu.memory_space<hbm>>
        %dma_wait3A_695 = arith.constant 56 : i32
        %dma_wait3A_696 = arith.constant 0 : i32
        %dma_wait3A_697 = tpu.memref_slice %arg9[%dma_wait3A_695, %dma_wait3A_696] : memref<64x129xf32, #tpu.memory_space<vmem>> -> memref<8x128xf32, #tpu.memory_space<vmem>>
        tpu.wait_dma2 semaphore(%arg13 : memref<!tpu.dma_semaphore, #tpu.memory_space<semaphore_mem>>) src(%dma_wait3A_697 : memref<8x128xf32, #tpu.memory_space<vmem>>) dst(%dma_wait3A_694 : memref<8x128xf32, #tpu.memory_space<hbm>>)
      } else {
      }
      %mul3A_449 = arith.constant 0 : i32
      %mul3A_450 = vector.broadcast %mul3A_449 : i32 to vector<16xi32>
      %mul3A_451 = arith.muli %iota3A, %mul3A_450 : vector<16xi32>
      %parallel_loop3A_452 = arith.constant 0 : i32
      %parallel_loop3A_453 = arith.constant 128 : i32
      %parallel_loop3A_454 = arith.constant 1 : i32
      %parallel_loop3A_455 = scf.for %parallel_loop3A_578 = %parallel_loop3A_452 to %parallel_loop3A_453 step %parallel_loop3A_454 iter_args(%parallel_loop3A_579 = %mul3A_451) -> (vector<16xi32>)  : i32 {
        %parallel_loop3A_580 = arith.index_cast %parallel_loop3A_578 : i32 to index
        %parallel_loop3A_581 = arith.constant 0 : index
        %parallel_loop3A_582 = tpu.vector_load %arg7[%parallel_loop3A_580, %parallel_loop3A_581] {strides = array<i32>} : memref<128x64xf32, #tpu.memory_space<vmem>>, vector<16xf32>,
        tpu.vector_store_idx %arg9[%add3A_11, %parallel_loop3A_579], %parallel_loop3A_582 : memref<64x129xf32, #tpu.memory_space<vmem>>[vector<16xi32>, vector<16xi32>], vector<16xf32>,
        %parallel_loop3A_583 = arith.index_cast %parallel_loop3A_578 : i32 to index
        %parallel_loop3A_584 = arith.constant 16 : index
        %parallel_loop3A_585 = tpu.vector_load %arg7[%parallel_loop3A_583, %parallel_loop3A_584] {strides = array<i32>} : memref<128x64xf32, #tpu.memory_space<vmem>>, vector<16xf32>,
        tpu.vector_store_idx %arg9[%add3A_14, %parallel_loop3A_579], %parallel_loop3A_585 : memref<64x129xf32, #tpu.memory_space<vmem>>[vector<16xi32>, vector<16xi32>], vector<16xf32>,
        %parallel_loop3A_586 = arith.index_cast %parallel_loop3A_578 : i32 to index
        %parallel_loop3A_587 = arith.constant 32 : index
        %parallel_loop3A_588 = tpu.vector_load %arg7[%parallel_loop3A_586, %parallel_loop3A_587] {strides = array<i32>} : memref<128x64xf32, #tpu.memory_space<vmem>>, vector<16xf32>,
        tpu.vector_store_idx %arg9[%add3A_17, %parallel_loop3A_579], %parallel_loop3A_588 : memref<64x129xf32, #tpu.memory_space<vmem>>[vector<16xi32>, vector<16xi32>], vector<16xf32>,
        %parallel_loop3A_589 = arith.index_cast %parallel_loop3A_578 : i32 to index
        %parallel_loop3A_590 = arith.constant 48 : index
        %parallel_loop3A_591 = tpu.vector_load %arg7[%parallel_loop3A_589, %parallel_loop3A_590] {strides = array<i32>} : memref<128x64xf32, #tpu.memory_space<vmem>>, vector<16xf32>,
        tpu.vector_store_idx %arg9[%add3A_20, %parallel_loop3A_579], %parallel_loop3A_591 : memref<64x129xf32, #tpu.memory_space<vmem>>[vector<16xi32>, vector<16xi32>], vector<16xf32>,
        %parallel_loop3A_592 = arith.addi %parallel_loop3A_579, %add3A_8 : vector<16xi32>
        scf.yield %parallel_loop3A_592 : vector<16xi32>
      } {sc.loop_unroll_factor = 4 : i64, sc.parallel_access}
      %add3A_456 = arith.constant 1 : i32
      %add3A_457 = arith.addi %mul3A_289, %add3A_456 : i32
      %dma_start3A_458 = arith.constant 0 : i32
      %dma_start3A_459 = arith.constant 0 : i32
      %dma_start3A_460 = arith.constant 0 : i32
      %dma_start3A_461 = tpu.memref_slice %arg9[%dma_start3A_459, %dma_start3A_460] : memref<64x129xf32, #tpu.memory_space<vmem>> -> memref<8x128xf32, #tpu.memory_space<vmem>>
      %dma_start3A_462 = arith.constant 0 : i32
      %dma_start3A_463 = arith.constant 0 : i32
      %dma_start3A_464 = tpu.memref_slice %arg4[%add3A_457, %dma_start3A_458, %add3A, %dma_start3A_462, %dma_start3A_463] : memref<200x8x32x8x128xf32, #tpu.memory_space<hbm>> -> memref<1x1x1x8x128xf32, #tpu.memory_space<hbm>>
      %dma_start3A_465 = tpu.memref_squeeze %dma_start3A_464 : memref<1x1x1x8x128xf32, #tpu.memory_space<hbm>> -> memref<8x128xf32, #tpu.memory_space<hbm>>
      %dma_start3A_466 = arith.constant 0 : i32
      %dma_start3A_467 = arith.constant 0 : i32
      %dma_start3A_468 = tpu.memref_slice %arg4[%add3A_457, %dma_start3A_458, %add3A, %dma_start3A_466, %dma_start3A_467] : memref<200x8x32x8x128xf32, #tpu.memory_space<hbm>> -> memref<1x1x1x8x128xf32, #tpu.memory_space<hbm>>
      %dma_start3A_469 = tpu.memref_squeeze %dma_start3A_468 : memref<1x1x1x8x128xf32, #tpu.memory_space<hbm>> -> memref<8x128xf32, #tpu.memory_space<hbm>>
      %dma_start3A_470 = arith.constant 0 : i32
      %dma_start3A_471 = arith.constant 0 : i32
      %dma_start3A_472 = tpu.memref_slice %arg9[%dma_start3A_470, %dma_start3A_471] : memref<64x129xf32, #tpu.memory_space<vmem>> -> memref<8x128xf32, #tpu.memory_space<vmem>>
      tpu.enqueue_dma source(%dma_start3A_472 : memref<8x128xf32, #tpu.memory_space<vmem>>) target(%dma_start3A_469 : memref<8x128xf32, #tpu.memory_space<hbm>>) target_semaphore(%arg13 : memref<!tpu.dma_semaphore, #tpu.memory_space<semaphore_mem>>)
      %dma_start3A_473 = arith.constant 1 : i32
      %dma_start3A_474 = arith.constant 8 : i32
      %dma_start3A_475 = arith.constant 0 : i32
      %dma_start3A_476 = tpu.memref_slice %arg9[%dma_start3A_474, %dma_start3A_475] : memref<64x129xf32, #tpu.memory_space<vmem>> -> memref<8x128xf32, #tpu.memory_space<vmem>>
      %dma_start3A_477 = arith.constant 0 : i32
      %dma_start3A_478 = arith.constant 0 : i32
      %dma_start3A_479 = tpu.memref_slice %arg4[%add3A_457, %dma_start3A_473, %add3A, %dma_start3A_477, %dma_start3A_478] : memref<200x8x32x8x128xf32, #tpu.memory_space<hbm>> -> memref<1x1x1x8x128xf32, #tpu.memory_space<hbm>>
      %dma_start3A_480 = tpu.memref_squeeze %dma_start3A_479 : memref<1x1x1x8x128xf32, #tpu.memory_space<hbm>> -> memref<8x128xf32, #tpu.memory_space<hbm>>
      %dma_start3A_481 = arith.constant 0 : i32
      %dma_start3A_482 = arith.constant 0 : i32
      %dma_start3A_483 = tpu.memref_slice %arg4[%add3A_457, %dma_start3A_473, %add3A, %dma_start3A_481, %dma_start3A_482] : memref<200x8x32x8x128xf32, #tpu.memory_space<hbm>> -> memref<1x1x1x8x128xf32, #tpu.memory_space<hbm>>
      %dma_start3A_484 = tpu.memref_squeeze %dma_start3A_483 : memref<1x1x1x8x128xf32, #tpu.memory_space<hbm>> -> memref<8x128xf32, #tpu.memory_space<hbm>>
      %dma_start3A_485 = arith.constant 8 : i32
      %dma_start3A_486 = arith.constant 0 : i32
      %dma_start3A_487 = tpu.memref_slice %arg9[%dma_start3A_485, %dma_start3A_486] : memref<64x129xf32, #tpu.memory_space<vmem>> -> memref<8x128xf32, #tpu.memory_space<vmem>>
      tpu.enqueue_dma source(%dma_start3A_487 : memref<8x128xf32, #tpu.memory_space<vmem>>) target(%dma_start3A_484 : memref<8x128xf32, #tpu.memory_space<hbm>>) target_semaphore(%arg13 : memref<!tpu.dma_semaphore, #tpu.memory_space<semaphore_mem>>)
      %dma_start3A_488 = arith.constant 2 : i32
      %dma_start3A_489 = arith.constant 16 : i32
      %dma_start3A_490 = arith.constant 0 : i32
      %dma_start3A_491 = tpu.memref_slice %arg9[%dma_start3A_489, %dma_start3A_490] : memref<64x129xf32, #tpu.memory_space<vmem>> -> memref<8x128xf32, #tpu.memory_space<vmem>>
      %dma_start3A_492 = arith.constant 0 : i32
      %dma_start3A_493 = arith.constant 0 : i32
      %dma_start3A_494 = tpu.memref_slice %arg4[%add3A_457, %dma_start3A_488, %add3A, %dma_start3A_492, %dma_start3A_493] : memref<200x8x32x8x128xf32, #tpu.memory_space<hbm>> -> memref<1x1x1x8x128xf32, #tpu.memory_space<hbm>>
      %dma_start3A_495 = tpu.memref_squeeze %dma_start3A_494 : memref<1x1x1x8x128xf32, #tpu.memory_space<hbm>> -> memref<8x128xf32, #tpu.memory_space<hbm>>
      %dma_start3A_496 = arith.constant 0 : i32
      %dma_start3A_497 = arith.constant 0 : i32
      %dma_start3A_498 = tpu.memref_slice %arg4[%add3A_457, %dma_start3A_488, %add3A, %dma_start3A_496, %dma_start3A_497] : memref<200x8x32x8x128xf32, #tpu.memory_space<hbm>> -> memref<1x1x1x8x128xf32, #tpu.memory_space<hbm>>
      %dma_start3A_499 = tpu.memref_squeeze %dma_start3A_498 : memref<1x1x1x8x128xf32, #tpu.memory_space<hbm>> -> memref<8x128xf32, #tpu.memory_space<hbm>>
      %dma_start3A_500 = arith.constant 16 : i32
      %dma_start3A_501 = arith.constant 0 : i32
      %dma_start3A_502 = tpu.memref_slice %arg9[%dma_start3A_500, %dma_start3A_501] : memref<64x129xf32, #tpu.memory_space<vmem>> -> memref<8x128xf32, #tpu.memory_space<vmem>>
      tpu.enqueue_dma source(%dma_start3A_502 : memref<8x128xf32, #tpu.memory_space<vmem>>) target(%dma_start3A_499 : memref<8x128xf32, #tpu.memory_space<hbm>>) target_semaphore(%arg13 : memref<!tpu.dma_semaphore, #tpu.memory_space<semaphore_mem>>)
      %dma_start3A_503 = arith.constant 3 : i32
      %dma_start3A_504 = arith.constant 24 : i32
      %dma_start3A_505 = arith.constant 0 : i32
      %dma_start3A_506 = tpu.memref_slice %arg9[%dma_start3A_504, %dma_start3A_505] : memref<64x129xf32, #tpu.memory_space<vmem>> -> memref<8x128xf32, #tpu.memory_space<vmem>>
      %dma_start3A_507 = arith.constant 0 : i32
      %dma_start3A_508 = arith.constant 0 : i32
      %dma_start3A_509 = tpu.memref_slice %arg4[%add3A_457, %dma_start3A_503, %add3A, %dma_start3A_507, %dma_start3A_508] : memref<200x8x32x8x128xf32, #tpu.memory_space<hbm>> -> memref<1x1x1x8x128xf32, #tpu.memory_space<hbm>>
      %dma_start3A_510 = tpu.memref_squeeze %dma_start3A_509 : memref<1x1x1x8x128xf32, #tpu.memory_space<hbm>> -> memref<8x128xf32, #tpu.memory_space<hbm>>
      %dma_start3A_511 = arith.constant 0 : i32
      %dma_start3A_512 = arith.constant 0 : i32
      %dma_start3A_513 = tpu.memref_slice %arg4[%add3A_457, %dma_start3A_503, %add3A, %dma_start3A_511, %dma_start3A_512] : memref<200x8x32x8x128xf32, #tpu.memory_space<hbm>> -> memref<1x1x1x8x128xf32, #tpu.memory_space<hbm>>
      %dma_start3A_514 = tpu.memref_squeeze %dma_start3A_513 : memref<1x1x1x8x128xf32, #tpu.memory_space<hbm>> -> memref<8x128xf32, #tpu.memory_space<hbm>>
      %dma_start3A_515 = arith.constant 24 : i32
      %dma_start3A_516 = arith.constant 0 : i32
      %dma_start3A_517 = tpu.memref_slice %arg9[%dma_start3A_515, %dma_start3A_516] : memref<64x129xf32, #tpu.memory_space<vmem>> -> memref<8x128xf32, #tpu.memory_space<vmem>>
      tpu.enqueue_dma source(%dma_start3A_517 : memref<8x128xf32, #tpu.memory_space<vmem>>) target(%dma_start3A_514 : memref<8x128xf32, #tpu.memory_space<hbm>>) target_semaphore(%arg13 : memref<!tpu.dma_semaphore, #tpu.memory_space<semaphore_mem>>)
      %dma_start3A_518 = arith.constant 4 : i32
      %dma_start3A_519 = arith.constant 32 : i32
      %dma_start3A_520 = arith.constant 0 : i32
      %dma_start3A_521 = tpu.memref_slice %arg9[%dma_start3A_519, %dma_start3A_520] : memref<64x129xf32, #tpu.memory_space<vmem>> -> memref<8x128xf32, #tpu.memory_space<vmem>>
      %dma_start3A_522 = arith.constant 0 : i32
      %dma_start3A_523 = arith.constant 0 : i32
      %dma_start3A_524 = tpu.memref_slice %arg4[%add3A_457, %dma_start3A_518, %add3A, %dma_start3A_522, %dma_start3A_523] : memref<200x8x32x8x128xf32, #tpu.memory_space<hbm>> -> memref<1x1x1x8x128xf32, #tpu.memory_space<hbm>>
      %dma_start3A_525 = tpu.memref_squeeze %dma_start3A_524 : memref<1x1x1x8x128xf32, #tpu.memory_space<hbm>> -> memref<8x128xf32, #tpu.memory_space<hbm>>
      %dma_start3A_526 = arith.constant 0 : i32
      %dma_start3A_527 = arith.constant 0 : i32
      %dma_start3A_528 = tpu.memref_slice %arg4[%add3A_457, %dma_start3A_518, %add3A, %dma_start3A_526, %dma_start3A_527] : memref<200x8x32x8x128xf32, #tpu.memory_space<hbm>> -> memref<1x1x1x8x128xf32, #tpu.memory_space<hbm>>
      %dma_start3A_529 = tpu.memref_squeeze %dma_start3A_528 : memref<1x1x1x8x128xf32, #tpu.memory_space<hbm>> -> memref<8x128xf32, #tpu.memory_space<hbm>>
      %dma_start3A_530 = arith.constant 32 : i32
      %dma_start3A_531 = arith.constant 0 : i32
      %dma_start3A_532 = tpu.memref_slice %arg9[%dma_start3A_530, %dma_start3A_531] : memref<64x129xf32, #tpu.memory_space<vmem>> -> memref<8x128xf32, #tpu.memory_space<vmem>>
      tpu.enqueue_dma source(%dma_start3A_532 : memref<8x128xf32, #tpu.memory_space<vmem>>) target(%dma_start3A_529 : memref<8x128xf32, #tpu.memory_space<hbm>>) target_semaphore(%arg13 : memref<!tpu.dma_semaphore, #tpu.memory_space<semaphore_mem>>)
      %dma_start3A_533 = arith.constant 5 : i32
      %dma_start3A_534 = arith.constant 40 : i32
      %dma_start3A_535 = arith.constant 0 : i32
      %dma_start3A_536 = tpu.memref_slice %arg9[%dma_start3A_534, %dma_start3A_535] : memref<64x129xf32, #tpu.memory_space<vmem>> -> memref<8x128xf32, #tpu.memory_space<vmem>>
      %dma_start3A_537 = arith.constant 0 : i32
      %dma_start3A_538 = arith.constant 0 : i32
      %dma_start3A_539 = tpu.memref_slice %arg4[%add3A_457, %dma_start3A_533, %add3A, %dma_start3A_537, %dma_start3A_538] : memref<200x8x32x8x128xf32, #tpu.memory_space<hbm>> -> memref<1x1x1x8x128xf32, #tpu.memory_space<hbm>>
      %dma_start3A_540 = tpu.memref_squeeze %dma_start3A_539 : memref<1x1x1x8x128xf32, #tpu.memory_space<hbm>> -> memref<8x128xf32, #tpu.memory_space<hbm>>
      %dma_start3A_541 = arith.constant 0 : i32
      %dma_start3A_542 = arith.constant 0 : i32
      %dma_start3A_543 = tpu.memref_slice %arg4[%add3A_457, %dma_start3A_533, %add3A, %dma_start3A_541, %dma_start3A_542] : memref<200x8x32x8x128xf32, #tpu.memory_space<hbm>> -> memref<1x1x1x8x128xf32, #tpu.memory_space<hbm>>
      %dma_start3A_544 = tpu.memref_squeeze %dma_start3A_543 : memref<1x1x1x8x128xf32, #tpu.memory_space<hbm>> -> memref<8x128xf32, #tpu.memory_space<hbm>>
      %dma_start3A_545 = arith.constant 40 : i32
      %dma_start3A_546 = arith.constant 0 : i32
      %dma_start3A_547 = tpu.memref_slice %arg9[%dma_start3A_545, %dma_start3A_546] : memref<64x129xf32, #tpu.memory_space<vmem>> -> memref<8x128xf32, #tpu.memory_space<vmem>>
      tpu.enqueue_dma source(%dma_start3A_547 : memref<8x128xf32, #tpu.memory_space<vmem>>) target(%dma_start3A_544 : memref<8x128xf32, #tpu.memory_space<hbm>>) target_semaphore(%arg13 : memref<!tpu.dma_semaphore, #tpu.memory_space<semaphore_mem>>)
      %dma_start3A_548 = arith.constant 6 : i32
      %dma_start3A_549 = arith.constant 48 : i32
      %dma_start3A_550 = arith.constant 0 : i32
      %dma_start3A_551 = tpu.memref_slice %arg9[%dma_start3A_549, %dma_start3A_550] : memref<64x129xf32, #tpu.memory_space<vmem>> -> memref<8x128xf32, #tpu.memory_space<vmem>>
      %dma_start3A_552 = arith.constant 0 : i32
      %dma_start3A_553 = arith.constant 0 : i32
      %dma_start3A_554 = tpu.memref_slice %arg4[%add3A_457, %dma_start3A_548, %add3A, %dma_start3A_552, %dma_start3A_553] : memref<200x8x32x8x128xf32, #tpu.memory_space<hbm>> -> memref<1x1x1x8x128xf32, #tpu.memory_space<hbm>>
      %dma_start3A_555 = tpu.memref_squeeze %dma_start3A_554 : memref<1x1x1x8x128xf32, #tpu.memory_space<hbm>> -> memref<8x128xf32, #tpu.memory_space<hbm>>
      %dma_start3A_556 = arith.constant 0 : i32
      %dma_start3A_557 = arith.constant 0 : i32
      %dma_start3A_558 = tpu.memref_slice %arg4[%add3A_457, %dma_start3A_548, %add3A, %dma_start3A_556, %dma_start3A_557] : memref<200x8x32x8x128xf32, #tpu.memory_space<hbm>> -> memref<1x1x1x8x128xf32, #tpu.memory_space<hbm>>
      %dma_start3A_559 = tpu.memref_squeeze %dma_start3A_558 : memref<1x1x1x8x128xf32, #tpu.memory_space<hbm>> -> memref<8x128xf32, #tpu.memory_space<hbm>>
      %dma_start3A_560 = arith.constant 48 : i32
      %dma_start3A_561 = arith.constant 0 : i32
      %dma_start3A_562 = tpu.memref_slice %arg9[%dma_start3A_560, %dma_start3A_561] : memref<64x129xf32, #tpu.memory_space<vmem>> -> memref<8x128xf32, #tpu.memory_space<vmem>>
      tpu.enqueue_dma source(%dma_start3A_562 : memref<8x128xf32, #tpu.memory_space<vmem>>) target(%dma_start3A_559 : memref<8x128xf32, #tpu.memory_space<hbm>>) target_semaphore(%arg13 : memref<!tpu.dma_semaphore, #tpu.memory_space<semaphore_mem>>)
      %dma_start3A_563 = arith.constant 7 : i32
      %dma_start3A_564 = arith.constant 56 : i32
      %dma_start3A_565 = arith.constant 0 : i32
      %dma_start3A_566 = tpu.memref_slice %arg9[%dma_start3A_564, %dma_start3A_565] : memref<64x129xf32, #tpu.memory_space<vmem>> -> memref<8x128xf32, #tpu.memory_space<vmem>>
      %dma_start3A_567 = arith.constant 0 : i32
      %dma_start3A_568 = arith.constant 0 : i32
      %dma_start3A_569 = tpu.memref_slice %arg4[%add3A_457, %dma_start3A_563, %add3A, %dma_start3A_567, %dma_start3A_568] : memref<200x8x32x8x128xf32, #tpu.memory_space<hbm>> -> memref<1x1x1x8x128xf32, #tpu.memory_space<hbm>>
      %dma_start3A_570 = tpu.memref_squeeze %dma_start3A_569 : memref<1x1x1x8x128xf32, #tpu.memory_space<hbm>> -> memref<8x128xf32, #tpu.memory_space<hbm>>
      %dma_start3A_571 = arith.constant 0 : i32
      %dma_start3A_572 = arith.constant 0 : i32
      %dma_start3A_573 = tpu.memref_slice %arg4[%add3A_457, %dma_start3A_563, %add3A, %dma_start3A_571, %dma_start3A_572] : memref<200x8x32x8x128xf32, #tpu.memory_space<hbm>> -> memref<1x1x1x8x128xf32, #tpu.memory_space<hbm>>
      %dma_start3A_574 = tpu.memref_squeeze %dma_start3A_573 : memref<1x1x1x8x128xf32, #tpu.memory_space<hbm>> -> memref<8x128xf32, #tpu.memory_space<hbm>>
      %dma_start3A_575 = arith.constant 56 : i32
      %dma_start3A_576 = arith.constant 0 : i32
      %dma_start3A_577 = tpu.memref_slice %arg9[%dma_start3A_575, %dma_start3A_576] : memref<64x129xf32, #tpu.memory_space<vmem>> -> memref<8x128xf32, #tpu.memory_space<vmem>>
      tpu.enqueue_dma source(%dma_start3A_577 : memref<8x128xf32, #tpu.memory_space<vmem>>) target(%dma_start3A_574 : memref<8x128xf32, #tpu.memory_space<hbm>>) target_semaphore(%arg13 : memref<!tpu.dma_semaphore, #tpu.memory_space<semaphore_mem>>)
    }
    %scan3A_31 = arith.constant 100 : i32
    %dma_wait3A = arith.constant 0 : i32
    %dma_wait3A_32 = arith.constant 0 : i32
    %dma_wait3A_33 = arith.constant 0 : i32
    %dma_wait3A_34 = arith.constant 0 : i32
    %dma_wait3A_35 = tpu.memref_slice %arg8[%dma_wait3A_33, %dma_wait3A_34] : memref<64x129xf32, #tpu.memory_space<vmem>> -> memref<8x128xf32, #tpu.memory_space<vmem>>
    %dma_wait3A_36 = arith.constant 0 : i32
    %dma_wait3A_37 = arith.constant 0 : i32
    %dma_wait3A_38 = tpu.memref_slice %arg4[%dma_wait3A, %dma_wait3A_32, %add3A, %dma_wait3A_36, %dma_wait3A_37] : memref<200x8x32x8x128xf32, #tpu.memory_space<hbm>> -> memref<1x1x1x8x128xf32, #tpu.memory_space<hbm>>
    %dma_wait3A_39 = tpu.memref_squeeze %dma_wait3A_38 : memref<1x1x1x8x128xf32, #tpu.memory_space<hbm>> -> memref<8x128xf32, #tpu.memory_space<hbm>>
    %dma_wait3A_40 = arith.constant 0 : i32
    %dma_wait3A_41 = arith.constant 0 : i32
    %dma_wait3A_42 = tpu.memref_slice %arg4[%dma_wait3A, %dma_wait3A_32, %add3A, %dma_wait3A_40, %dma_wait3A_41] : memref<200x8x32x8x128xf32, #tpu.memory_space<hbm>> -> memref<1x1x1x8x128xf32, #tpu.memory_space<hbm>>
    %dma_wait3A_43 = tpu.memref_squeeze %dma_wait3A_42 : memref<1x1x1x8x128xf32, #tpu.memory_space<hbm>> -> memref<8x128xf32, #tpu.memory_space<hbm>>
    %dma_wait3A_44 = arith.constant 0 : i32
    %dma_wait3A_45 = arith.constant 0 : i32
    %dma_wait3A_46 = tpu.memref_slice %arg8[%dma_wait3A_44, %dma_wait3A_45] : memref<64x129xf32, #tpu.memory_space<vmem>> -> memref<8x128xf32, #tpu.memory_space<vmem>>
    tpu.wait_dma2 semaphore(%arg12 : memref<!tpu.dma_semaphore, #tpu.memory_space<semaphore_mem>>) src(%dma_wait3A_46 : memref<8x128xf32, #tpu.memory_space<vmem>>) dst(%dma_wait3A_43 : memref<8x128xf32, #tpu.memory_space<hbm>>)
    %dma_wait3A_47 = arith.constant 0 : i32
    %dma_wait3A_48 = arith.constant 1 : i32
    %dma_wait3A_49 = arith.constant 8 : i32
    %dma_wait3A_50 = arith.constant 0 : i32
    %dma_wait3A_51 = tpu.memref_slice %arg8[%dma_wait3A_49, %dma_wait3A_50] : memref<64x129xf32, #tpu.memory_space<vmem>> -> memref<8x128xf32, #tpu.memory_space<vmem>>
    %dma_wait3A_52 = arith.constant 0 : i32
    %dma_wait3A_53 = arith.constant 0 : i32
    %dma_wait3A_54 = tpu.memref_slice %arg4[%dma_wait3A_47, %dma_wait3A_48, %add3A, %dma_wait3A_52, %dma_wait3A_53] : memref<200x8x32x8x128xf32, #tpu.memory_space<hbm>> -> memref<1x1x1x8x128xf32, #tpu.memory_space<hbm>>
    %dma_wait3A_55 = tpu.memref_squeeze %dma_wait3A_54 : memref<1x1x1x8x128xf32, #tpu.memory_space<hbm>> -> memref<8x128xf32, #tpu.memory_space<hbm>>
    %dma_wait3A_56 = arith.constant 0 : i32
    %dma_wait3A_57 = arith.constant 0 : i32
    %dma_wait3A_58 = tpu.memref_slice %arg4[%dma_wait3A_47, %dma_wait3A_48, %add3A, %dma_wait3A_56, %dma_wait3A_57] : memref<200x8x32x8x128xf32, #tpu.memory_space<hbm>> -> memref<1x1x1x8x128xf32, #tpu.memory_space<hbm>>
    %dma_wait3A_59 = tpu.memref_squeeze %dma_wait3A_58 : memref<1x1x1x8x128xf32, #tpu.memory_space<hbm>> -> memref<8x128xf32, #tpu.memory_space<hbm>>
    %dma_wait3A_60 = arith.constant 8 : i32
    %dma_wait3A_61 = arith.constant 0 : i32
    %dma_wait3A_62 = tpu.memref_slice %arg8[%dma_wait3A_60, %dma_wait3A_61] : memref<64x129xf32, #tpu.memory_space<vmem>> -> memref<8x128xf32, #tpu.memory_space<vmem>>
    tpu.wait_dma2 semaphore(%arg12 : memref<!tpu.dma_semaphore, #tpu.memory_space<semaphore_mem>>) src(%dma_wait3A_62 : memref<8x128xf32, #tpu.memory_space<vmem>>) dst(%dma_wait3A_59 : memref<8x128xf32, #tpu.memory_space<hbm>>)
    %dma_wait3A_63 = arith.constant 0 : i32
    %dma_wait3A_64 = arith.constant 2 : i32
    %dma_wait3A_65 = arith.constant 16 : i32
    %dma_wait3A_66 = arith.constant 0 : i32
    %dma_wait3A_67 = tpu.memref_slice %arg8[%dma_wait3A_65, %dma_wait3A_66] : memref<64x129xf32, #tpu.memory_space<vmem>> -> memref<8x128xf32, #tpu.memory_space<vmem>>
    %dma_wait3A_68 = arith.constant 0 : i32
    %dma_wait3A_69 = arith.constant 0 : i32
    %dma_wait3A_70 = tpu.memref_slice %arg4[%dma_wait3A_63, %dma_wait3A_64, %add3A, %dma_wait3A_68, %dma_wait3A_69] : memref<200x8x32x8x128xf32, #tpu.memory_space<hbm>> -> memref<1x1x1x8x128xf32, #tpu.memory_space<hbm>>
    %dma_wait3A_71 = tpu.memref_squeeze %dma_wait3A_70 : memref<1x1x1x8x128xf32, #tpu.memory_space<hbm>> -> memref<8x128xf32, #tpu.memory_space<hbm>>
    %dma_wait3A_72 = arith.constant 0 : i32
    %dma_wait3A_73 = arith.constant 0 : i32
    %dma_wait3A_74 = tpu.memref_slice %arg4[%dma_wait3A_63, %dma_wait3A_64, %add3A, %dma_wait3A_72, %dma_wait3A_73] : memref<200x8x32x8x128xf32, #tpu.memory_space<hbm>> -> memref<1x1x1x8x128xf32, #tpu.memory_space<hbm>>
    %dma_wait3A_75 = tpu.memref_squeeze %dma_wait3A_74 : memref<1x1x1x8x128xf32, #tpu.memory_space<hbm>> -> memref<8x128xf32, #tpu.memory_space<hbm>>
    %dma_wait3A_76 = arith.constant 16 : i32
    %dma_wait3A_77 = arith.constant 0 : i32
    %dma_wait3A_78 = tpu.memref_slice %arg8[%dma_wait3A_76, %dma_wait3A_77] : memref<64x129xf32, #tpu.memory_space<vmem>> -> memref<8x128xf32, #tpu.memory_space<vmem>>
    tpu.wait_dma2 semaphore(%arg12 : memref<!tpu.dma_semaphore, #tpu.memory_space<semaphore_mem>>) src(%dma_wait3A_78 : memref<8x128xf32, #tpu.memory_space<vmem>>) dst(%dma_wait3A_75 : memref<8x128xf32, #tpu.memory_space<hbm>>)
    %dma_wait3A_79 = arith.constant 0 : i32
    %dma_wait3A_80 = arith.constant 3 : i32
    %dma_wait3A_81 = arith.constant 24 : i32
    %dma_wait3A_82 = arith.constant 0 : i32
    %dma_wait3A_83 = tpu.memref_slice %arg8[%dma_wait3A_81, %dma_wait3A_82] : memref<64x129xf32, #tpu.memory_space<vmem>> -> memref<8x128xf32, #tpu.memory_space<vmem>>
    %dma_wait3A_84 = arith.constant 0 : i32
    %dma_wait3A_85 = arith.constant 0 : i32
    %dma_wait3A_86 = tpu.memref_slice %arg4[%dma_wait3A_79, %dma_wait3A_80, %add3A, %dma_wait3A_84, %dma_wait3A_85] : memref<200x8x32x8x128xf32, #tpu.memory_space<hbm>> -> memref<1x1x1x8x128xf32, #tpu.memory_space<hbm>>
    %dma_wait3A_87 = tpu.memref_squeeze %dma_wait3A_86 : memref<1x1x1x8x128xf32, #tpu.memory_space<hbm>> -> memref<8x128xf32, #tpu.memory_space<hbm>>
    %dma_wait3A_88 = arith.constant 0 : i32
    %dma_wait3A_89 = arith.constant 0 : i32
    %dma_wait3A_90 = tpu.memref_slice %arg4[%dma_wait3A_79, %dma_wait3A_80, %add3A, %dma_wait3A_88, %dma_wait3A_89] : memref<200x8x32x8x128xf32, #tpu.memory_space<hbm>> -> memref<1x1x1x8x128xf32, #tpu.memory_space<hbm>>
    %dma_wait3A_91 = tpu.memref_squeeze %dma_wait3A_90 : memref<1x1x1x8x128xf32, #tpu.memory_space<hbm>> -> memref<8x128xf32, #tpu.memory_space<hbm>>
    %dma_wait3A_92 = arith.constant 24 : i32
    %dma_wait3A_93 = arith.constant 0 : i32
    %dma_wait3A_94 = tpu.memref_slice %arg8[%dma_wait3A_92, %dma_wait3A_93] : memref<64x129xf32, #tpu.memory_space<vmem>> -> memref<8x128xf32, #tpu.memory_space<vmem>>
    tpu.wait_dma2 semaphore(%arg12 : memref<!tpu.dma_semaphore, #tpu.memory_space<semaphore_mem>>) src(%dma_wait3A_94 : memref<8x128xf32, #tpu.memory_space<vmem>>) dst(%dma_wait3A_91 : memref<8x128xf32, #tpu.memory_space<hbm>>)
    %dma_wait3A_95 = arith.constant 0 : i32
    %dma_wait3A_96 = arith.constant 4 : i32
    %dma_wait3A_97 = arith.constant 32 : i32
    %dma_wait3A_98 = arith.constant 0 : i32
    %dma_wait3A_99 = tpu.memref_slice %arg8[%dma_wait3A_97, %dma_wait3A_98] : memref<64x129xf32, #tpu.memory_space<vmem>> -> memref<8x128xf32, #tpu.memory_space<vmem>>
    %dma_wait3A_100 = arith.constant 0 : i32
    %dma_wait3A_101 = arith.constant 0 : i32
    %dma_wait3A_102 = tpu.memref_slice %arg4[%dma_wait3A_95, %dma_wait3A_96, %add3A, %dma_wait3A_100, %dma_wait3A_101] : memref<200x8x32x8x128xf32, #tpu.memory_space<hbm>> -> memref<1x1x1x8x128xf32, #tpu.memory_space<hbm>>
    %dma_wait3A_103 = tpu.memref_squeeze %dma_wait3A_102 : memref<1x1x1x8x128xf32, #tpu.memory_space<hbm>> -> memref<8x128xf32, #tpu.memory_space<hbm>>
    %dma_wait3A_104 = arith.constant 0 : i32
    %dma_wait3A_105 = arith.constant 0 : i32
    %dma_wait3A_106 = tpu.memref_slice %arg4[%dma_wait3A_95, %dma_wait3A_96, %add3A, %dma_wait3A_104, %dma_wait3A_105] : memref<200x8x32x8x128xf32, #tpu.memory_space<hbm>> -> memref<1x1x1x8x128xf32, #tpu.memory_space<hbm>>
    %dma_wait3A_107 = tpu.memref_squeeze %dma_wait3A_106 : memref<1x1x1x8x128xf32, #tpu.memory_space<hbm>> -> memref<8x128xf32, #tpu.memory_space<hbm>>
    %dma_wait3A_108 = arith.constant 32 : i32
    %dma_wait3A_109 = arith.constant 0 : i32
    %dma_wait3A_110 = tpu.memref_slice %arg8[%dma_wait3A_108, %dma_wait3A_109] : memref<64x129xf32, #tpu.memory_space<vmem>> -> memref<8x128xf32, #tpu.memory_space<vmem>>
    tpu.wait_dma2 semaphore(%arg12 : memref<!tpu.dma_semaphore, #tpu.memory_space<semaphore_mem>>) src(%dma_wait3A_110 : memref<8x128xf32, #tpu.memory_space<vmem>>) dst(%dma_wait3A_107 : memref<8x128xf32, #tpu.memory_space<hbm>>)
    %dma_wait3A_111 = arith.constant 0 : i32
    %dma_wait3A_112 = arith.constant 5 : i32
    %dma_wait3A_113 = arith.constant 40 : i32
    %dma_wait3A_114 = arith.constant 0 : i32
    %dma_wait3A_115 = tpu.memref_slice %arg8[%dma_wait3A_113, %dma_wait3A_114] : memref<64x129xf32, #tpu.memory_space<vmem>> -> memref<8x128xf32, #tpu.memory_space<vmem>>
    %dma_wait3A_116 = arith.constant 0 : i32
    %dma_wait3A_117 = arith.constant 0 : i32
    %dma_wait3A_118 = tpu.memref_slice %arg4[%dma_wait3A_111, %dma_wait3A_112, %add3A, %dma_wait3A_116, %dma_wait3A_117] : memref<200x8x32x8x128xf32, #tpu.memory_space<hbm>> -> memref<1x1x1x8x128xf32, #tpu.memory_space<hbm>>
    %dma_wait3A_119 = tpu.memref_squeeze %dma_wait3A_118 : memref<1x1x1x8x128xf32, #tpu.memory_space<hbm>> -> memref<8x128xf32, #tpu.memory_space<hbm>>
    %dma_wait3A_120 = arith.constant 0 : i32
    %dma_wait3A_121 = arith.constant 0 : i32
    %dma_wait3A_122 = tpu.memref_slice %arg4[%dma_wait3A_111, %dma_wait3A_112, %add3A, %dma_wait3A_120, %dma_wait3A_121] : memref<200x8x32x8x128xf32, #tpu.memory_space<hbm>> -> memref<1x1x1x8x128xf32, #tpu.memory_space<hbm>>
    %dma_wait3A_123 = tpu.memref_squeeze %dma_wait3A_122 : memref<1x1x1x8x128xf32, #tpu.memory_space<hbm>> -> memref<8x128xf32, #tpu.memory_space<hbm>>
    %dma_wait3A_124 = arith.constant 40 : i32
    %dma_wait3A_125 = arith.constant 0 : i32
    %dma_wait3A_126 = tpu.memref_slice %arg8[%dma_wait3A_124, %dma_wait3A_125] : memref<64x129xf32, #tpu.memory_space<vmem>> -> memref<8x128xf32, #tpu.memory_space<vmem>>
    tpu.wait_dma2 semaphore(%arg12 : memref<!tpu.dma_semaphore, #tpu.memory_space<semaphore_mem>>) src(%dma_wait3A_126 : memref<8x128xf32, #tpu.memory_space<vmem>>) dst(%dma_wait3A_123 : memref<8x128xf32, #tpu.memory_space<hbm>>)
    %dma_wait3A_127 = arith.constant 0 : i32
    %dma_wait3A_128 = arith.constant 6 : i32
    %dma_wait3A_129 = arith.constant 48 : i32
    %dma_wait3A_130 = arith.constant 0 : i32
    %dma_wait3A_131 = tpu.memref_slice %arg8[%dma_wait3A_129, %dma_wait3A_130] : memref<64x129xf32, #tpu.memory_space<vmem>> -> memref<8x128xf32, #tpu.memory_space<vmem>>
    %dma_wait3A_132 = arith.constant 0 : i32
    %dma_wait3A_133 = arith.constant 0 : i32
    %dma_wait3A_134 = tpu.memref_slice %arg4[%dma_wait3A_127, %dma_wait3A_128, %add3A, %dma_wait3A_132, %dma_wait3A_133] : memref<200x8x32x8x128xf32, #tpu.memory_space<hbm>> -> memref<1x1x1x8x128xf32, #tpu.memory_space<hbm>>
    %dma_wait3A_135 = tpu.memref_squeeze %dma_wait3A_134 : memref<1x1x1x8x128xf32, #tpu.memory_space<hbm>> -> memref<8x128xf32, #tpu.memory_space<hbm>>
    %dma_wait3A_136 = arith.constant 0 : i32
    %dma_wait3A_137 = arith.constant 0 : i32
    %dma_wait3A_138 = tpu.memref_slice %arg4[%dma_wait3A_127, %dma_wait3A_128, %add3A, %dma_wait3A_136, %dma_wait3A_137] : memref<200x8x32x8x128xf32, #tpu.memory_space<hbm>> -> memref<1x1x1x8x128xf32, #tpu.memory_space<hbm>>
    %dma_wait3A_139 = tpu.memref_squeeze %dma_wait3A_138 : memref<1x1x1x8x128xf32, #tpu.memory_space<hbm>> -> memref<8x128xf32, #tpu.memory_space<hbm>>
    %dma_wait3A_140 = arith.constant 48 : i32
    %dma_wait3A_141 = arith.constant 0 : i32
    %dma_wait3A_142 = tpu.memref_slice %arg8[%dma_wait3A_140, %dma_wait3A_141] : memref<64x129xf32, #tpu.memory_space<vmem>> -> memref<8x128xf32, #tpu.memory_space<vmem>>
    tpu.wait_dma2 semaphore(%arg12 : memref<!tpu.dma_semaphore, #tpu.memory_space<semaphore_mem>>) src(%dma_wait3A_142 : memref<8x128xf32, #tpu.memory_space<vmem>>) dst(%dma_wait3A_139 : memref<8x128xf32, #tpu.memory_space<hbm>>)
    %dma_wait3A_143 = arith.constant 0 : i32
    %dma_wait3A_144 = arith.constant 7 : i32
    %dma_wait3A_145 = arith.constant 56 : i32
    %dma_wait3A_146 = arith.constant 0 : i32
    %dma_wait3A_147 = tpu.memref_slice %arg8[%dma_wait3A_145, %dma_wait3A_146] : memref<64x129xf32, #tpu.memory_space<vmem>> -> memref<8x128xf32, #tpu.memory_space<vmem>>
    %dma_wait3A_148 = arith.constant 0 : i32
    %dma_wait3A_149 = arith.constant 0 : i32
    %dma_wait3A_150 = tpu.memref_slice %arg4[%dma_wait3A_143, %dma_wait3A_144, %add3A, %dma_wait3A_148, %dma_wait3A_149] : memref<200x8x32x8x128xf32, #tpu.memory_space<hbm>> -> memref<1x1x1x8x128xf32, #tpu.memory_space<hbm>>
    %dma_wait3A_151 = tpu.memref_squeeze %dma_wait3A_150 : memref<1x1x1x8x128xf32, #tpu.memory_space<hbm>> -> memref<8x128xf32, #tpu.memory_space<hbm>>
    %dma_wait3A_152 = arith.constant 0 : i32
    %dma_wait3A_153 = arith.constant 0 : i32
    %dma_wait3A_154 = tpu.memref_slice %arg4[%dma_wait3A_143, %dma_wait3A_144, %add3A, %dma_wait3A_152, %dma_wait3A_153] : memref<200x8x32x8x128xf32, #tpu.memory_space<hbm>> -> memref<1x1x1x8x128xf32, #tpu.memory_space<hbm>>
    %dma_wait3A_155 = tpu.memref_squeeze %dma_wait3A_154 : memref<1x1x1x8x128xf32, #tpu.memory_space<hbm>> -> memref<8x128xf32, #tpu.memory_space<hbm>>
    %dma_wait3A_156 = arith.constant 56 : i32
    %dma_wait3A_157 = arith.constant 0 : i32
    %dma_wait3A_158 = tpu.memref_slice %arg8[%dma_wait3A_156, %dma_wait3A_157] : memref<64x129xf32, #tpu.memory_space<vmem>> -> memref<8x128xf32, #tpu.memory_space<vmem>>
    tpu.wait_dma2 semaphore(%arg12 : memref<!tpu.dma_semaphore, #tpu.memory_space<semaphore_mem>>) src(%dma_wait3A_158 : memref<8x128xf32, #tpu.memory_space<vmem>>) dst(%dma_wait3A_155 : memref<8x128xf32, #tpu.memory_space<hbm>>)
    %dma_wait3A_159 = arith.constant 0 : i32
    %dma_wait3A_160 = arith.constant 0 : i32
    %dma_wait3A_161 = arith.constant 0 : i32
    %dma_wait3A_162 = arith.constant 0 : i32
    %dma_wait3A_163 = tpu.memref_slice %arg9[%dma_wait3A_161, %dma_wait3A_162] : memref<64x129xf32, #tpu.memory_space<vmem>> -> memref<8x128xf32, #tpu.memory_space<vmem>>
    %dma_wait3A_164 = arith.constant 0 : i32
    %dma_wait3A_165 = arith.constant 0 : i32
    %dma_wait3A_166 = tpu.memref_slice %arg4[%dma_wait3A_159, %dma_wait3A_160, %add3A, %dma_wait3A_164, %dma_wait3A_165] : memref<200x8x32x8x128xf32, #tpu.memory_space<hbm>> -> memref<1x1x1x8x128xf32, #tpu.memory_space<hbm>>
    %dma_wait3A_167 = tpu.memref_squeeze %dma_wait3A_166 : memref<1x1x1x8x128xf32, #tpu.memory_space<hbm>> -> memref<8x128xf32, #tpu.memory_space<hbm>>
    %dma_wait3A_168 = arith.constant 0 : i32
    %dma_wait3A_169 = arith.constant 0 : i32
    %dma_wait3A_170 = tpu.memref_slice %arg4[%dma_wait3A_159, %dma_wait3A_160, %add3A, %dma_wait3A_168, %dma_wait3A_169] : memref<200x8x32x8x128xf32, #tpu.memory_space<hbm>> -> memref<1x1x1x8x128xf32, #tpu.memory_space<hbm>>
    %dma_wait3A_171 = tpu.memref_squeeze %dma_wait3A_170 : memref<1x1x1x8x128xf32, #tpu.memory_space<hbm>> -> memref<8x128xf32, #tpu.memory_space<hbm>>
    %dma_wait3A_172 = arith.constant 0 : i32
    %dma_wait3A_173 = arith.constant 0 : i32
    %dma_wait3A_174 = tpu.memref_slice %arg9[%dma_wait3A_172, %dma_wait3A_173] : memref<64x129xf32, #tpu.memory_space<vmem>> -> memref<8x128xf32, #tpu.memory_space<vmem>>
    tpu.wait_dma2 semaphore(%arg13 : memref<!tpu.dma_semaphore, #tpu.memory_space<semaphore_mem>>) src(%dma_wait3A_174 : memref<8x128xf32, #tpu.memory_space<vmem>>) dst(%dma_wait3A_171 : memref<8x128xf32, #tpu.memory_space<hbm>>)
    %dma_wait3A_175 = arith.constant 0 : i32
    %dma_wait3A_176 = arith.constant 1 : i32
    %dma_wait3A_177 = arith.constant 8 : i32
    %dma_wait3A_178 = arith.constant 0 : i32
    %dma_wait3A_179 = tpu.memref_slice %arg9[%dma_wait3A_177, %dma_wait3A_178] : memref<64x129xf32, #tpu.memory_space<vmem>> -> memref<8x128xf32, #tpu.memory_space<vmem>>
    %dma_wait3A_180 = arith.constant 0 : i32
    %dma_wait3A_181 = arith.constant 0 : i32
    %dma_wait3A_182 = tpu.memref_slice %arg4[%dma_wait3A_175, %dma_wait3A_176, %add3A, %dma_wait3A_180, %dma_wait3A_181] : memref<200x8x32x8x128xf32, #tpu.memory_space<hbm>> -> memref<1x1x1x8x128xf32, #tpu.memory_space<hbm>>
    %dma_wait3A_183 = tpu.memref_squeeze %dma_wait3A_182 : memref<1x1x1x8x128xf32, #tpu.memory_space<hbm>> -> memref<8x128xf32, #tpu.memory_space<hbm>>
    %dma_wait3A_184 = arith.constant 0 : i32
    %dma_wait3A_185 = arith.constant 0 : i32
    %dma_wait3A_186 = tpu.memref_slice %arg4[%dma_wait3A_175, %dma_wait3A_176, %add3A, %dma_wait3A_184, %dma_wait3A_185] : memref<200x8x32x8x128xf32, #tpu.memory_space<hbm>> -> memref<1x1x1x8x128xf32, #tpu.memory_space<hbm>>
    %dma_wait3A_187 = tpu.memref_squeeze %dma_wait3A_186 : memref<1x1x1x8x128xf32, #tpu.memory_space<hbm>> -> memref<8x128xf32, #tpu.memory_space<hbm>>
    %dma_wait3A_188 = arith.constant 8 : i32
    %dma_wait3A_189 = arith.constant 0 : i32
    %dma_wait3A_190 = tpu.memref_slice %arg9[%dma_wait3A_188, %dma_wait3A_189] : memref<64x129xf32, #tpu.memory_space<vmem>> -> memref<8x128xf32, #tpu.memory_space<vmem>>
    tpu.wait_dma2 semaphore(%arg13 : memref<!tpu.dma_semaphore, #tpu.memory_space<semaphore_mem>>) src(%dma_wait3A_190 : memref<8x128xf32, #tpu.memory_space<vmem>>) dst(%dma_wait3A_187 : memref<8x128xf32, #tpu.memory_space<hbm>>)
    %dma_wait3A_191 = arith.constant 0 : i32
    %dma_wait3A_192 = arith.constant 2 : i32
    %dma_wait3A_193 = arith.constant 16 : i32
    %dma_wait3A_194 = arith.constant 0 : i32
    %dma_wait3A_195 = tpu.memref_slice %arg9[%dma_wait3A_193, %dma_wait3A_194] : memref<64x129xf32, #tpu.memory_space<vmem>> -> memref<8x128xf32, #tpu.memory_space<vmem>>
    %dma_wait3A_196 = arith.constant 0 : i32
    %dma_wait3A_197 = arith.constant 0 : i32
    %dma_wait3A_198 = tpu.memref_slice %arg4[%dma_wait3A_191, %dma_wait3A_192, %add3A, %dma_wait3A_196, %dma_wait3A_197] : memref<200x8x32x8x128xf32, #tpu.memory_space<hbm>> -> memref<1x1x1x8x128xf32, #tpu.memory_space<hbm>>
    %dma_wait3A_199 = tpu.memref_squeeze %dma_wait3A_198 : memref<1x1x1x8x128xf32, #tpu.memory_space<hbm>> -> memref<8x128xf32, #tpu.memory_space<hbm>>
    %dma_wait3A_200 = arith.constant 0 : i32
    %dma_wait3A_201 = arith.constant 0 : i32
    %dma_wait3A_202 = tpu.memref_slice %arg4[%dma_wait3A_191, %dma_wait3A_192, %add3A, %dma_wait3A_200, %dma_wait3A_201] : memref<200x8x32x8x128xf32, #tpu.memory_space<hbm>> -> memref<1x1x1x8x128xf32, #tpu.memory_space<hbm>>
    %dma_wait3A_203 = tpu.memref_squeeze %dma_wait3A_202 : memref<1x1x1x8x128xf32, #tpu.memory_space<hbm>> -> memref<8x128xf32, #tpu.memory_space<hbm>>
    %dma_wait3A_204 = arith.constant 16 : i32
    %dma_wait3A_205 = arith.constant 0 : i32
    %dma_wait3A_206 = tpu.memref_slice %arg9[%dma_wait3A_204, %dma_wait3A_205] : memref<64x129xf32, #tpu.memory_space<vmem>> -> memref<8x128xf32, #tpu.memory_space<vmem>>
    tpu.wait_dma2 semaphore(%arg13 : memref<!tpu.dma_semaphore, #tpu.memory_space<semaphore_mem>>) src(%dma_wait3A_206 : memref<8x128xf32, #tpu.memory_space<vmem>>) dst(%dma_wait3A_203 : memref<8x128xf32, #tpu.memory_space<hbm>>)
    %dma_wait3A_207 = arith.constant 0 : i32
    %dma_wait3A_208 = arith.constant 3 : i32
    %dma_wait3A_209 = arith.constant 24 : i32
    %dma_wait3A_210 = arith.constant 0 : i32
    %dma_wait3A_211 = tpu.memref_slice %arg9[%dma_wait3A_209, %dma_wait3A_210] : memref<64x129xf32, #tpu.memory_space<vmem>> -> memref<8x128xf32, #tpu.memory_space<vmem>>
    %dma_wait3A_212 = arith.constant 0 : i32
    %dma_wait3A_213 = arith.constant 0 : i32
    %dma_wait3A_214 = tpu.memref_slice %arg4[%dma_wait3A_207, %dma_wait3A_208, %add3A, %dma_wait3A_212, %dma_wait3A_213] : memref<200x8x32x8x128xf32, #tpu.memory_space<hbm>> -> memref<1x1x1x8x128xf32, #tpu.memory_space<hbm>>
    %dma_wait3A_215 = tpu.memref_squeeze %dma_wait3A_214 : memref<1x1x1x8x128xf32, #tpu.memory_space<hbm>> -> memref<8x128xf32, #tpu.memory_space<hbm>>
    %dma_wait3A_216 = arith.constant 0 : i32
    %dma_wait3A_217 = arith.constant 0 : i32
    %dma_wait3A_218 = tpu.memref_slice %arg4[%dma_wait3A_207, %dma_wait3A_208, %add3A, %dma_wait3A_216, %dma_wait3A_217] : memref<200x8x32x8x128xf32, #tpu.memory_space<hbm>> -> memref<1x1x1x8x128xf32, #tpu.memory_space<hbm>>
    %dma_wait3A_219 = tpu.memref_squeeze %dma_wait3A_218 : memref<1x1x1x8x128xf32, #tpu.memory_space<hbm>> -> memref<8x128xf32, #tpu.memory_space<hbm>>
    %dma_wait3A_220 = arith.constant 24 : i32
    %dma_wait3A_221 = arith.constant 0 : i32
    %dma_wait3A_222 = tpu.memref_slice %arg9[%dma_wait3A_220, %dma_wait3A_221] : memref<64x129xf32, #tpu.memory_space<vmem>> -> memref<8x128xf32, #tpu.memory_space<vmem>>
    tpu.wait_dma2 semaphore(%arg13 : memref<!tpu.dma_semaphore, #tpu.memory_space<semaphore_mem>>) src(%dma_wait3A_222 : memref<8x128xf32, #tpu.memory_space<vmem>>) dst(%dma_wait3A_219 : memref<8x128xf32, #tpu.memory_space<hbm>>)
    %dma_wait3A_223 = arith.constant 0 : i32
    %dma_wait3A_224 = arith.constant 4 : i32
    %dma_wait3A_225 = arith.constant 32 : i32
    %dma_wait3A_226 = arith.constant 0 : i32
    %dma_wait3A_227 = tpu.memref_slice %arg9[%dma_wait3A_225, %dma_wait3A_226] : memref<64x129xf32, #tpu.memory_space<vmem>> -> memref<8x128xf32, #tpu.memory_space<vmem>>
    %dma_wait3A_228 = arith.constant 0 : i32
    %dma_wait3A_229 = arith.constant 0 : i32
    %dma_wait3A_230 = tpu.memref_slice %arg4[%dma_wait3A_223, %dma_wait3A_224, %add3A, %dma_wait3A_228, %dma_wait3A_229] : memref<200x8x32x8x128xf32, #tpu.memory_space<hbm>> -> memref<1x1x1x8x128xf32, #tpu.memory_space<hbm>>
    %dma_wait3A_231 = tpu.memref_squeeze %dma_wait3A_230 : memref<1x1x1x8x128xf32, #tpu.memory_space<hbm>> -> memref<8x128xf32, #tpu.memory_space<hbm>>
    %dma_wait3A_232 = arith.constant 0 : i32
    %dma_wait3A_233 = arith.constant 0 : i32
    %dma_wait3A_234 = tpu.memref_slice %arg4[%dma_wait3A_223, %dma_wait3A_224, %add3A, %dma_wait3A_232, %dma_wait3A_233] : memref<200x8x32x8x128xf32, #tpu.memory_space<hbm>> -> memref<1x1x1x8x128xf32, #tpu.memory_space<hbm>>
    %dma_wait3A_235 = tpu.memref_squeeze %dma_wait3A_234 : memref<1x1x1x8x128xf32, #tpu.memory_space<hbm>> -> memref<8x128xf32, #tpu.memory_space<hbm>>
    %dma_wait3A_236 = arith.constant 32 : i32
    %dma_wait3A_237 = arith.constant 0 : i32
    %dma_wait3A_238 = tpu.memref_slice %arg9[%dma_wait3A_236, %dma_wait3A_237] : memref<64x129xf32, #tpu.memory_space<vmem>> -> memref<8x128xf32, #tpu.memory_space<vmem>>
    tpu.wait_dma2 semaphore(%arg13 : memref<!tpu.dma_semaphore, #tpu.memory_space<semaphore_mem>>) src(%dma_wait3A_238 : memref<8x128xf32, #tpu.memory_space<vmem>>) dst(%dma_wait3A_235 : memref<8x128xf32, #tpu.memory_space<hbm>>)
    %dma_wait3A_239 = arith.constant 0 : i32
    %dma_wait3A_240 = arith.constant 5 : i32
    %dma_wait3A_241 = arith.constant 40 : i32
    %dma_wait3A_242 = arith.constant 0 : i32
    %dma_wait3A_243 = tpu.memref_slice %arg9[%dma_wait3A_241, %dma_wait3A_242] : memref<64x129xf32, #tpu.memory_space<vmem>> -> memref<8x128xf32, #tpu.memory_space<vmem>>
    %dma_wait3A_244 = arith.constant 0 : i32
    %dma_wait3A_245 = arith.constant 0 : i32
    %dma_wait3A_246 = tpu.memref_slice %arg4[%dma_wait3A_239, %dma_wait3A_240, %add3A, %dma_wait3A_244, %dma_wait3A_245] : memref<200x8x32x8x128xf32, #tpu.memory_space<hbm>> -> memref<1x1x1x8x128xf32, #tpu.memory_space<hbm>>
    %dma_wait3A_247 = tpu.memref_squeeze %dma_wait3A_246 : memref<1x1x1x8x128xf32, #tpu.memory_space<hbm>> -> memref<8x128xf32, #tpu.memory_space<hbm>>
    %dma_wait3A_248 = arith.constant 0 : i32
    %dma_wait3A_249 = arith.constant 0 : i32
    %dma_wait3A_250 = tpu.memref_slice %arg4[%dma_wait3A_239, %dma_wait3A_240, %add3A, %dma_wait3A_248, %dma_wait3A_249] : memref<200x8x32x8x128xf32, #tpu.memory_space<hbm>> -> memref<1x1x1x8x128xf32, #tpu.memory_space<hbm>>
    %dma_wait3A_251 = tpu.memref_squeeze %dma_wait3A_250 : memref<1x1x1x8x128xf32, #tpu.memory_space<hbm>> -> memref<8x128xf32, #tpu.memory_space<hbm>>
    %dma_wait3A_252 = arith.constant 40 : i32
    %dma_wait3A_253 = arith.constant 0 : i32
    %dma_wait3A_254 = tpu.memref_slice %arg9[%dma_wait3A_252, %dma_wait3A_253] : memref<64x129xf32, #tpu.memory_space<vmem>> -> memref<8x128xf32, #tpu.memory_space<vmem>>
    tpu.wait_dma2 semaphore(%arg13 : memref<!tpu.dma_semaphore, #tpu.memory_space<semaphore_mem>>) src(%dma_wait3A_254 : memref<8x128xf32, #tpu.memory_space<vmem>>) dst(%dma_wait3A_251 : memref<8x128xf32, #tpu.memory_space<hbm>>)
    %dma_wait3A_255 = arith.constant 0 : i32
    %dma_wait3A_256 = arith.constant 6 : i32
    %dma_wait3A_257 = arith.constant 48 : i32
    %dma_wait3A_258 = arith.constant 0 : i32
    %dma_wait3A_259 = tpu.memref_slice %arg9[%dma_wait3A_257, %dma_wait3A_258] : memref<64x129xf32, #tpu.memory_space<vmem>> -> memref<8x128xf32, #tpu.memory_space<vmem>>
    %dma_wait3A_260 = arith.constant 0 : i32
    %dma_wait3A_261 = arith.constant 0 : i32
    %dma_wait3A_262 = tpu.memref_slice %arg4[%dma_wait3A_255, %dma_wait3A_256, %add3A, %dma_wait3A_260, %dma_wait3A_261] : memref<200x8x32x8x128xf32, #tpu.memory_space<hbm>> -> memref<1x1x1x8x128xf32, #tpu.memory_space<hbm>>
    %dma_wait3A_263 = tpu.memref_squeeze %dma_wait3A_262 : memref<1x1x1x8x128xf32, #tpu.memory_space<hbm>> -> memref<8x128xf32, #tpu.memory_space<hbm>>
    %dma_wait3A_264 = arith.constant 0 : i32
    %dma_wait3A_265 = arith.constant 0 : i32
    %dma_wait3A_266 = tpu.memref_slice %arg4[%dma_wait3A_255, %dma_wait3A_256, %add3A, %dma_wait3A_264, %dma_wait3A_265] : memref<200x8x32x8x128xf32, #tpu.memory_space<hbm>> -> memref<1x1x1x8x128xf32, #tpu.memory_space<hbm>>
    %dma_wait3A_267 = tpu.memref_squeeze %dma_wait3A_266 : memref<1x1x1x8x128xf32, #tpu.memory_space<hbm>> -> memref<8x128xf32, #tpu.memory_space<hbm>>
    %dma_wait3A_268 = arith.constant 48 : i32
    %dma_wait3A_269 = arith.constant 0 : i32
    %dma_wait3A_270 = tpu.memref_slice %arg9[%dma_wait3A_268, %dma_wait3A_269] : memref<64x129xf32, #tpu.memory_space<vmem>> -> memref<8x128xf32, #tpu.memory_space<vmem>>
    tpu.wait_dma2 semaphore(%arg13 : memref<!tpu.dma_semaphore, #tpu.memory_space<semaphore_mem>>) src(%dma_wait3A_270 : memref<8x128xf32, #tpu.memory_space<vmem>>) dst(%dma_wait3A_267 : memref<8x128xf32, #tpu.memory_space<hbm>>)
    %dma_wait3A_271 = arith.constant 0 : i32
    %dma_wait3A_272 = arith.constant 7 : i32
    %dma_wait3A_273 = arith.constant 56 : i32
    %dma_wait3A_274 = arith.constant 0 : i32
    %dma_wait3A_275 = tpu.memref_slice %arg9[%dma_wait3A_273, %dma_wait3A_274] : memref<64x129xf32, #tpu.memory_space<vmem>> -> memref<8x128xf32, #tpu.memory_space<vmem>>
    %dma_wait3A_276 = arith.constant 0 : i32
    %dma_wait3A_277 = arith.constant 0 : i32
    %dma_wait3A_278 = tpu.memref_slice %arg4[%dma_wait3A_271, %dma_wait3A_272, %add3A, %dma_wait3A_276, %dma_wait3A_277] : memref<200x8x32x8x128xf32, #tpu.memory_space<hbm>> -> memref<1x1x1x8x128xf32, #tpu.memory_space<hbm>>
    %dma_wait3A_279 = tpu.memref_squeeze %dma_wait3A_278 : memref<1x1x1x8x128xf32, #tpu.memory_space<hbm>> -> memref<8x128xf32, #tpu.memory_space<hbm>>
    %dma_wait3A_280 = arith.constant 0 : i32
    %dma_wait3A_281 = arith.constant 0 : i32
    %dma_wait3A_282 = tpu.memref_slice %arg4[%dma_wait3A_271, %dma_wait3A_272, %add3A, %dma_wait3A_280, %dma_wait3A_281] : memref<200x8x32x8x128xf32, #tpu.memory_space<hbm>> -> memref<1x1x1x8x128xf32, #tpu.memory_space<hbm>>
    %dma_wait3A_283 = tpu.memref_squeeze %dma_wait3A_282 : memref<1x1x1x8x128xf32, #tpu.memory_space<hbm>> -> memref<8x128xf32, #tpu.memory_space<hbm>>
    %dma_wait3A_284 = arith.constant 56 : i32
    %dma_wait3A_285 = arith.constant 0 : i32
    %dma_wait3A_286 = tpu.memref_slice %arg9[%dma_wait3A_284, %dma_wait3A_285] : memref<64x129xf32, #tpu.memory_space<vmem>> -> memref<8x128xf32, #tpu.memory_space<vmem>>
    tpu.wait_dma2 semaphore(%arg13 : memref<!tpu.dma_semaphore, #tpu.memory_space<semaphore_mem>>) src(%dma_wait3A_286 : memref<8x128xf32, #tpu.memory_space<vmem>>) dst(%dma_wait3A_283 : memref<8x128xf32, #tpu.memory_space<hbm>>)
    return
  }
}

</mosaic_0001>

<sc_bundles>
// kernel: kernel.3.cloned.1.call-start
scs
__scs_entry_jumppad:
0x0: {  	(pc) =	sbr.rel $0x88, $3  }
0x1: {  	(tag) =	ssettag $0x0;
	lr =	simm.s32 $0x1  }
0x2: {  	[smem:$0x3F9F] =	sst lr;
	_ =	strace $0xD0000000  }
0x3: {  	_ = 	snop  }
0x4: {  	_ = 	snop  }
0x5: {  	_ = 	snop  }
0x6: {  	_ = 	snop  }
0x7: {  	_ = 	snop  }
__scs_overlays_trampoline_lowered:
0x8: {  	[smem:$0x3FAE] =	sst s0  }
0x9: {  	[smem:$0x3FAF] =	sst s1  }
0xa: {  	[smem:$0x3FB0] =	sst s2  }
0xb: {  	[smem:$0x3FB1] =	sst s3  }
0xc: {  	[smem:$0x3FB2] =	sst s4  }
0xd: {  	[smem:$0x3FB3] =	sst s5  }
0xe: {  	[smem:$0x3FB4] =	sst s6  }
0xf: {  	[smem:$0x3FB5] =	sst s7  }
0x10: {  	[smem:$0x3FB6] =	sst s8  }
0x11: {  	[smem:$0x3FB7] =	sst s9;
	s0 =	simm.s32 @!p0 $0x0  }
0x12: {  	s1 =	sld [smem:$0x3F9D];
	s0 =	simm.s32 @p0 $0x1  }
0x13: {  	[smem:$0x3FB8] =	sst s0;
	s0 =	simm.s32 @!p1 $0x0  }
0x14: {  	s2 =	sld [smem:$0x3F9C];
	s0 =	simm.s32 @p1 $0x1  }
0x15: {  	[smem:$0x3FB9] =	sst s0;
	s0 =	simm.s32 @!p2 $0x0  }
0x16: {  	s3 =	sld [smem:$0x3FDB];
	s0 =	simm.s32 @p2 $0x1  }
0x17: {  	s4 =	simm.s32 $0x1BF5;
	[smem:$0x3FBB] =	sst s0  }
0x18: {  	s0 =	sld [smem:$0x3F9E];
	_ =	swait.ge [sflag:s4], $0x0  }
0x19: {  	s7 =	sld [smem:$0x3F9F]  }
0x1a: {  	s8 =	sadd.s32 $0xFFFFE003, lr  }
0x1b: {  	s9 =	sadd.s32 $0xFFFFFEF7, lr;
	s5 =	simm.s32 $0xFFFFFFFF;
	p2 =	slt.u32 s8, $0xFFFFF086  }
0x1c: {  	p1 =	slt.u32 s9, $0xF7A;
	s5 =	simm.s32 @!p2 $0x0  }
0x1d: {  	s5 =	simm.s32 @p1 $0x1;
	p0 =	seq.s32 s7, s2  }
0x1e: {  	s7 =	smul.u32 @!p0 $0xF7A, s2;
	p2 =	seq.s32 @!p0 s5, $0x0  }
0x1f: {  	s9 =	smul.u32 $0xF7A, s1;
	s8 =	simm.s32 @!p0 $0x1BF5;
	p2 =	por !p2, p0  }
0x20: {  	[sflag:s8] =	ssyncset.s32 @!p0 $0xFFFFF086;
	s6 =	sadd.s32 @!p0 s3, s7;
	s7 =	simm.s32 @!p0 $0x108  }
0x21: {  	s3 =	sadd.s32 s3, s9;
	s6 =	sadd.s32 @!p0 $0x88, s6;
	s7 =	simm.s32 @p2 $0x1082  }
0x22: {  	[simem:s7], [sflag:s8] =	dma.local @!p0 [hbm:s6], $0xF7A  }
0x23: {  	s9 =	sor.u32 $0xD0000000, s2;
	s6 =	simm.s32 $0x108;
	_ =	swait.ge @!p0 [sflag:s8], $0x0  }
0x24: {  	s3 =	sadd.s32 $0x88, s3;
	s6 =	simm.s32 @!p1 $0x1082;
	[sflag:s4] =	ssyncset.s32 $0xFFFFF086  }
0x25: {  	[simem:s6], [sflag:s4] =	dma.local [hbm:s3], $0xF7A  }
0x26: {  	[smem:$0x3F9F] =	sst s1;
	(tag) =	ssettag s2;
	_ =	strace s9  }
0x27: {  	s1 =	sld [smem:$0x3FAF]  }
0x28: {  	s2 =	sld [smem:$0x3FB0]  }
0x29: {  	s4 =	sld [smem:$0x3FB2]  }
0x2a: {  	p0 =	seq.s32 s5, $0x0;
	s5 =	sld [smem:$0x3FB3]  }
0x2b: {  	s6 =	sld [smem:$0x3FB4]  }
0x2c: {  	s7 =	sld [smem:$0x3FB5]  }
0x2d: {  	s3 =	simm.s32 $0x108;
	s8 =	sld [smem:$0x3FB6]  }
0x2e: {  	s3 =	simm.s32 @!p0 $0x1082;
	s9 =	sld [smem:$0x3FB7]  }
0x2f: {  	lr =	sadd.s32 s0, s3;
	s0 =	sld [smem:$0x3FAE]  }
0x30: {  	s3 =	sld [smem:$0x3FB1]  }
0x31: {  	[smem:$0x3FBA] =	sst s10  }
0x32: {  	s10 =	sld [smem:$0x3FB8];
	_ =	sdelay $0x3  }
0x33: {  	p0 =	seq.s32 s10, $0x1;
	s10 =	sld [smem:$0x3FBA];
	_ =	sdelay $0x3  }
0x34: {  	[smem:$0x3FBA] =	sst s10  }
0x35: {  	s10 =	sld [smem:$0x3FB9];
	_ =	sdelay $0x3  }
0x36: {  	p1 =	seq.s32 s10, $0x1;
	s10 =	sld [smem:$0x3FBA];
	_ =	sdelay $0x3  }
0x37: {  	[smem:$0x3FBA] =	sst s10  }
0x38: {  	s10 =	sld [smem:$0x3FBB]  }
0x39: {  	_ = 	snop;
	(pc) =	sbr.ind lr, $3  }
0x3a: {  	_ = 	snop  }
0x3b: {  	_ = 	snop  }
0x3c: {  	p2 =	seq.s32 s10, $0x1;
	s10 =	sld [smem:$0x3FBA]  }
0x3d: {  	_ =	shalt  }
0x3e: {  	_ =	shalt  }
0x3f: {  	_ =	shalt  }
0x40: {  	_ =	shalt  }
0x41: {  	_ =	shalt  }
0x42: {  	_ =	shalt  }
0x43: {  	_ =	shalt  }
0x44: {  	_ =	shalt  }
0x45: {  	_ =	shalt  }
0x46: {  	_ =	shalt  }
0x47: {  	_ =	shalt  }
0x48: {  	_ =	shalt  }
0x49: {  	_ =	shalt  }
0x4a: {  	_ =	shalt  }
0x4b: {  	_ =	shalt  }
0x4c: {  	_ =	shalt  }
0x4d: {  	_ =	shalt  }
0x4e: {  	_ =	shalt  }
0x4f: {  	_ =	shalt  }
0x50: {  	_ =	shalt  }
0x51: {  	_ =	shalt  }
0x52: {  	_ =	shalt  }
0x53: {  	_ =	shalt  }
0x54: {  	_ =	shalt  }
0x55: {  	_ =	shalt  }
0x56: {  	_ =	shalt  }
0x57: {  	_ =	shalt  }
0x58: {  	_ =	shalt  }
0x59: {  	_ =	shalt  }
0x5a: {  	_ =	shalt  }
0x5b: {  	_ =	shalt  }
0x5c: {  	_ =	shalt  }
0x5d: {  	_ =	shalt  }
0x5e: {  	_ =	shalt  }
0x5f: {  	_ =	shalt  }
0x60: {  	_ =	shalt  }
0x61: {  	_ =	shalt  }
0x62: {  	_ =	shalt  }
0x63: {  	_ =	shalt  }
0x64: {  	_ =	shalt  }
0x65: {  	_ =	shalt  }
0x66: {  	_ =	shalt  }
0x67: {  	_ =	shalt  }
0x68: {  	_ =	shalt  }
0x69: {  	_ =	shalt  }
0x6a: {  	_ =	shalt  }
0x6b: {  	_ =	shalt  }
0x6c: {  	_ =	shalt  }
0x6d: {  	_ =	shalt  }
0x6e: {  	_ =	shalt  }
0x6f: {  	_ =	shalt  }
0x70: {  	_ =	shalt  }
0x71: {  	_ =	shalt  }
0x72: {  	_ =	shalt  }
0x73: {  	_ =	shalt  }
0x74: {  	_ =	shalt  }
0x75: {  	_ =	shalt  }
0x76: {  	_ =	shalt  }
0x77: {  	_ =	shalt  }
0x78: {  	_ =	shalt  }
0x79: {  	_ =	shalt  }
0x7a: {  	_ =	shalt  }
0x7b: {  	_ =	shalt  }
0x7c: {  	_ =	shalt  }
0x7d: {  	_ =	shalt  }
0x7e: {  	_ =	shalt  }
0x7f: {  	_ =	shalt  }
0x80: {  	_ =	shalt  }
0x81: {  	_ =	shalt  }
0x82: {  	_ =	shalt  }
0x83: {  	_ =	shalt  }
0x84: {  	_ =	shalt  }
0x85: {  	_ =	shalt  }
0x86: {  	_ =	shalt  }
0x87: {  	_ =	shalt  }
.Lfunc_end0:
.L_simem_size_0:
called_computation_lowered:
.L_overlay_start_0:
0x88: {  	s2 =	sld [smem:$0x3FD9]  }
0x89: {  	s3 =	sld [smem:$0x3FFE];
	_ =	sdelay $0x1  }
0x8a: {  	s1 =	srdreg.scid  }
0x8b: {  	s0 =	sand.u32 $0x1, s1  }
0x8c: {  	s17 =	sshll.u32 s0, $0xA;
	s2 =	sadd.s32 s3, s2  }
0x8d: {  	s2 =	sadd.s32 s2, s17  }
0x8e: {  	[smem:$0x3FC6] =	sst s2  }
0x8f: {  	_ = 	snop  }
0x90: {  	s2 =	sld [smem:$0x3FD0];
	(tm) =	ssettm $0x1  }
0x91: {  	s18 =	sld [smem:$0x3FFB];
	_ =	sdelay $0x3  }
0x92: {  	_ =	strace s18  }
0x93: {  	s3 =	sld [smem:$0x3FFC];
	_ =	sdelay $0x3  }
0x94: {  	_ =	strace s3  }
0x95: {  	s3 =	sld [smem:$0x3FFD];
	_ =	sdelay $0x3  }
0x96: {  	_ =	strace s3  }
0x97: {  	_ =	strace $0x8FFFFFFF  }
0x98: {  	s19 =	sld [smem:$0x3FDB];
	_ =	sdelay $0x1  }
0x99: {  	s4 =	simm.s32 $_scs_section_size  }
0x9a: {  	s5 =	simm.s32 $_size__tile_overlayer_lowered;
	s6 =	simm.s32 $_tile_overlayer_lowered  }
0x9b: {  	s22 =	simm.s32 $0x1BFF;
	s21 =	sshll.u32 s6, $0x1;
	s3 =	sadd.s32 s4, s19  }
0x9c: {  	s7 =	simm.s32 $0x0;
	s20 =	sshll.u32 s5, $0x1;
	s5 =	sadd.s32 s21, s3  }
0x9d: {  	[timem:s7], [sflag:s22] =	dma.local [hbm:s5], s20  }
0x9e: {  	_ =	swait.ge [sflag:s22], s20  }
0x9f: {  	s4 =	ssub.s32 $0x0, s20;
	[sflag:s22] =	ssyncset.done $0x0  }
0xa0: {  	[sflag:s22] =	ssyncadd.s32 s4;
	_ =	sdelay $0x1  }
0xa1: {  	s23 =	simm.s32 $0x1B8B  }
0xa2: {  	_ =	swait.ge [sflag:s23], $0x1  }
0xa3: {  	[sflag:s23] =	ssyncset.done $0x0  }
0xa4: {  	s25 =	simm.s32 $0x1B8E;
	s24 =	sld [smem:$0x3FFE];
	[sflag:s23] =	ssyncadd.s32 $0xFFFFFFFF  }
0xa5: {  	s26 =	simm.s32 $execute0_lowered;
	[smem:$0x3FD2] =	sst s25  }
0xa6: {  	s5 =	sshll.u32 s26, $0x1;
	_ =	strace $0x80000046;
	[dreg:$0x1] =	wrdreg $0xFFFFFFFF  }
0xa7: {  	s28 =	simm.s32 $_size_execute0_lowered;
	s3 =	sadd.s32 s3, s5;
	[dreg:$0x0] =	wrdreg $0x0  }
0xa8: {  	s5 =	sshll.u32 s28, $0x1;
	[dreg:$0x2] =	wrdreg s3  }
0xa9: {  	[dreg:$0x3] =	wrdreg s5  }
0xaa: {  	[dreg:$0x4] =	wrdreg $0xC0  }
0xab: {  	_ =	task [dreg:s7], $0x5FFFF  }
0xac: {  	[dreg:$0x1] =	wrdreg $0xFFFFFFFF  }
0xad: {  	[dreg:$0x0] =	wrdreg $0x60  }
0xae: {  	[dreg:$0x2] =	wrdreg s24  }
0xaf: {  	[dreg:$0x3] =	wrdreg s2  }
0xb0: {  	[dreg:$0x4] =	wrdreg $0x9  }
0xb1: {  	_ =	task.clear_ibuf [dreg:s7], $0x5FFFF;
	_ =	strace $0x90000046  }
0xb2: {  	s29 =	simm.s32 $0x9;
	_ =	strace $0x80000048  }
0xb3: {  	_ =	swait.ge [sflag:s29], $0x1  }
0xb4: {  	[sflag:s29] =	ssyncadd.s32 $0xFFFFFFFF  }
0xb5: {  	_ =	strace $0x90000048  }
0xb6: {  	_ =	sfence  }
0xb7: {  	s30 =	sld [smem:$0x0];
	_ =	sdelay $0x2  }
0xb8: {  	s31 =	sshll.u32 s1, $0xD;
	s1 =	sshrl.u32 s1, $0x2  }
0xb9: {  	s3 =	sand.u32 $0x4000, s31;
	s1 =	sadd.s32 s1, s30  }
0xba: {  	s0 =	sor.u32 s3, s0;
	s1 =	sshll.u32 s1, $0x11  }
0xbb: {  	s0 =	sor.u32 s1, s0  }
0xbc: {  	s0 =	sadd.s32 $0x8F2B, s0  }
0xbd: {  	[sflag:s0] =	ssyncadd.remote.s32 $0x1  }
0xbe: {  	_ =	sfence.sel $0xFFFF  }
0xbf: {  	[dreg:$0x0] =	wrdreg $0xFFFFFFFF;
	(pc) =	sbr.abs _section_cstart, $3  }
0xc0: {  	[dreg:$0x1] =	wrdreg $0xFFFFFFFF  }
0xc1: {  	_ =	task.clear_ibuf [dreg:s7], $0x2FFFF;
	_ =	strace $0x9FFFFFFF  }
0xc2: {  	(tm) =	ssettm $0x7FFFFFFF  }
0xc3: {  	_ =	shalt  }
tec
execute0_lowered:
.L_overlay_start_1:
0x0: {  	(tag) =	ssettag $0x1  }
0x1: {  	s0 =	rddreg [dreg:$0x0];
	s1 =	srdreg.scid  }
0x2: {  	s3 =	stileid.u32;
	s2 =	rddreg [dreg:$0x1]  }
0x3: {  	s15 =	simm.s32 $0x80;
	s20 =	simm.s32 $0x1;
	s21 =	simm.s32 $0xA400  }
0x4: {  	s14 =	simm.s32 $0x4;
	s17 =	simm.s32 $0xC600;
	s16 =	simm.s32 $0xE3C0  }
0x5: {  	s18 =	simm.s32 $0xE448;
	s19 =	simm.s32 $0xE4D0;
	s22 =	simm.s32 $0xE558  }
0x6: {  	s23 =	simm.s32 $0xE5E0;
	s24 =	simm.s32 $0xE668;
	s25 =	simm.s32 $0xE6F0  }
0x7: {  	s26 =	simm.s32 $0xE778;
	s1 =	sand.u32 $0x1, s1;
	s4 =	sshll.u32 s3, $0x1  }
0x8: {  	s3 =	simm.s32 $0x0;
	s8 =	sadd.s32 $0x2000, s2;
	s9 =	sadd.s32 $0x3000, s2  }
0x9: {  	s10 =	sadd.s32 $0x4000, s2;
	s11 =	sadd.s32 $0x5000, s2;
	s12 =	sadd.s32 $0x6000, s2  }
0xa: {  	s13 =	sadd.s32 $0x7000, s2;
	s5 =	sor.u32 s1, s4;
	[smem:$0x7FF] =	sst s3  }
0xb: {  	s1 =	ssub.s32 $0x2, s1;
	s4 =	sshll.u32 s5, $0x4;
	_ =	strace $0x80000047  }
0xc: {  	v0 =	vlaneseq.u32;
	s7 =	sshrl.u32 s1, $0x1;
	s6 =	sadd.s32 s4, s0;
	s4 =	sadd.s32 $0xF42A00, s0  }
0xd: {  	v0 =	vmul.u32 $0x88, v0;
	s30 =	ssub.s32 s1, s7;
	s7 =	sadd.s32 $0x1000, s2;
	s31 =	sadd.s32 $0x600, s6  }
0xe: {  	s1 =	simm.s32 $0x0;
	s0 =	smax.u32 s30, $0x1;
	[dreg:$0x3] =	wrdreg s31  }
0xf: {  	v1 =	vadd.s32 $0x880, v0;
	v2 =	vadd.s32 $0x1100, v0;
	v3 =	vadd.s32 $0x1980, v0;
	s6 =	sshll.u32 s5, $0xA;
	s5 =	simm.s32 $0x2;
	[dreg:$0x4] =	wrdreg s0  }
.LBB2_1:
0x10: {  	[dreg:$0x5] =	wrdreg s1  }
0x11: {  	s0 =	rddreg [dreg:$0x3];
	s29 =	simm.s32 $0x1000;
	s30 =	simm.s32 $0x5  }
0x12: {  	[tilespmem:s3], [sflag:$0x5] =	stream.strided.gather [hbm4b:s0+s15], $0x6400, s29, s15, $0x38;
	[tilespmem:$0xE800] =	vst v63  }
0x13: {  	_ =	swait.ge [sflag:s30], $0x6400  }
0x14: {  	[sflag:s30] =	ssyncset.done $0x0  }
0x15: {  	s31 =	simm.s32 $0x6400;
	s28 =	simm.s32 $0x0;
	[sflag:s30] =	ssyncadd.s32 $0xFFFF9C00  }
0x16: {  	[tilespmem:s31], [sflag:$0x1] =	stream.indirect.gather [hbm4b:s4+s15], $0x40, s3, s15, $0xb8;
	[tilespmem:$0xE800] =	vst v63  }
.LBB2_2:
0x17: {  	s29 =	sshllo.u32 s28, $0x1  }
0x18: {  	s0 =	sshll.u32 s29, $0x7  }
0x19: {  	s1 =	simm.s32 $0x8400;
	s0 =	sand.u32 $0x3FFFFF80, s0  }
0x1a: {  	[tilespmem:s1], [sflag:$0x2] =	stream.indirect.gather [hbm4b:s4+s15], $0x40, s0, s15, $0xb8;
	[tilespmem:$0xE800] =	vst v63  }
0x1b: {  	_ =	swait.ge [sflag:s20], $0x2000  }
0x1c: {  	p0 =	seq.s32 s28, $0x0;
	[sflag:s20] =	ssyncset.done $0x0  }
0x1d: {  	s0 =	simm.s32 @!p0 $0x3;
	[sflag:s20] =	ssyncadd.s32 $0xFFFFE000  }
0x1e: {  	_ =	swait.ge @!p0 [sflag:s0], $0x400  }
0x1f: {  	[sflag:s0] =	ssyncset.done @!p0 $0x0  }
0x20: {  	[sflag:s0] =	ssyncadd.s32 @!p0 $0xFFFFFC00  }
0x21: {  	_ =	swait.ge @!p0 [sflag:s0], $0x400  }
0x22: {  	[sflag:s0] =	ssyncset.done @!p0 $0x0  }
0x23: {  	[sflag:s0] =	ssyncadd.s32 @!p0 $0xFFFFFC00  }
0x24: {  	_ =	swait.ge @!p0 [sflag:s0], $0x400  }
0x25: {  	[sflag:s0] =	ssyncset.done @!p0 $0x0  }
0x26: {  	[sflag:s0] =	ssyncadd.s32 @!p0 $0xFFFFFC00  }
0x27: {  	_ =	swait.ge @!p0 [sflag:s0], $0x400  }
0x28: {  	[sflag:s0] =	ssyncset.done @!p0 $0x0  }
0x29: {  	[sflag:s0] =	ssyncadd.s32 @!p0 $0xFFFFFC00  }
0x2a: {  	_ =	swait.ge @!p0 [sflag:s0], $0x400  }
0x2b: {  	[sflag:s0] =	ssyncset.done @!p0 $0x0  }
0x2c: {  	[sflag:s0] =	ssyncadd.s32 @!p0 $0xFFFFFC00  }
0x2d: {  	_ =	swait.ge @!p0 [sflag:s0], $0x400  }
0x2e: {  	[sflag:s0] =	ssyncset.done @!p0 $0x0  }
0x2f: {  	[sflag:s0] =	ssyncadd.s32 @!p0 $0xFFFFFC00  }
0x30: {  	_ =	swait.ge @!p0 [sflag:s0], $0x400  }
0x31: {  	[sflag:s0] =	ssyncset.done @!p0 $0x0  }
0x32: {  	[sflag:s0] =	ssyncadd.s32 @!p0 $0xFFFFFC00  }
0x33: {  	v4 =	vimm.s32 $0x0;
	_ =	swait.ge @!p0 [sflag:s0], $0x400  }
0x34: {  	v11 =	vand.u32 $0xFFFFFFF8, v4;
	v12 =	vand.u32 $0x4, v4;
	[sflag:s0] =	ssyncset.done @!p0 $0x0  }
0x35: {  	s30 =	simm.s32 $0x6480;
	v5 =	vadd.s32 v0, v11;
	v14 =	vor.u32 $0x1, v12;
	[sflag:s0] =	ssyncadd.s32 @!p0 $0xFFFFFC00  }
0x36: {  	v19 =	vor.u32 $0x2, v12;
	v7 =	vor.u32 v14, v5;
	v6 =	vld [tilespmem:s30+$0xFFFFFFC0]  }
0x37: {  	v8 =	vor.u32 v19, v5;
	v9 =	vld [tilespmem:s30+$0x0]  }
0x38: {  	v20 =	vor.u32 $0x3, v12  }
0x39: {  	v13 =	vor.u32 v20, v5;
	v10 =	vld [tilespmem:s30+$0x40]  }
0x3a: {  	v5 =	vor.u32 v12, v5;
	v15 =	vld [tilespmem:s30+$0xFFFFFF80]  }
0x3b: {  	[tilespmem:v7+s21+$0x0] =	vst.idx.msk $0xffff, v6  }
0x3c: {  	v7 =	vadd.s32 v1, v11;
	[tilespmem:v8+s21+$0x0] =	vst.idx.msk $0xffff, v9  }
0x3d: {  	v8 =	vor.u32 v19, v7;
	v9 =	vld [tilespmem:s30+$0x10]  }
0x3e: {  	[tilespmem:v13+s21+$0x0] =	vst.idx.msk $0xffff, v10;
	v16 =	vld [tilespmem:s30+$0xFFFFFFD0];
	v10 =	vor.u32 v14, v7  }
0x3f: {  	s31 =	simm.s32 $0x6580;
	v24 =	vadd.s32 $0x4, v4;
	[tilespmem:v5+s21+$0x0] =	vst.idx.msk $0xffff, v15;
	v13 =	vld [tilespmem:s30+$0x50];
	v15 =	vor.u32 v20, v7  }
0x40: {  	v22 =	vld [tilespmem:s31+$0xFFFFFFC0];
	v6 =	vand.u32 $0xFFFFFFF8, v24  }
0x41: {  	v4 =	vand.u32 $0x4, v24;
	v17 =	vld [tilespmem:s30+$0xFFFFFF90];
	v18 =	vor.u32 v12, v7;
	v21 =	vadd.s32 v0, v6  }
0x42: {  	v25 =	vld [tilespmem:s31+$0xFFFFFF80];
	v5 =	vor.u32 $0x1, v4;
	v23 =	vor.u32 v4, v21;
	[tilespmem:v8+s21+$0x0] =	vst.idx.msk $0xffff, v9  }
0x43: {  	v27 =	vld [tilespmem:s31+$0x40];
	v7 =	vor.u32 $0x2, v4;
	v26 =	vor.u32 v5, v21;
	[tilespmem:v10+s21+$0x0] =	vst.idx.msk $0xffff, v16  }
0x44: {  	v8 =	vor.u32 $0x3, v4;
	v16 =	vor.u32 v7, v21;
	[tilespmem:v15+s21+$0x0] =	vst.idx.msk $0xffff, v13;
	v13 =	vld [tilespmem:s31+$0x0]  }
0x45: {  	v15 =	vadd.s32 v2, v11;
	v10 =	vor.u32 v8, v21;
	v9 =	vld [tilespmem:s30+$0x20]  }
0x46: {  	[tilespmem:v18+s21+$0x0] =	vst.idx.msk $0xffff, v17;
	v18 =	vld [tilespmem:s30+$0x60];
	v28 =	vor.u32 v20, v15  }
0x47: {  	v29 =	vor.u32 v12, v15;
	[tilespmem:v23+s21+$0x0] =	vst.idx.msk $0xffff, v25;
	v23 =	vld [tilespmem:s30+$0xFFFFFFA0]  }
0x48: {  	v30 =	vadd.s32 v1, v6;
	v62 =	vor.u32 v14, v15;
	[tilespmem:v26+s21+$0x0] =	vst.idx.msk $0xffff, v22;
	v63 =	vld [tilespmem:s30+$0xFFFFFFE0]  }
0x49: {  	v32 =	vor.u32 v5, v30;
	v31 =	vld [tilespmem:s31+$0xFFFFFFD0];
	[tilespmem:v16+s21+$0x0] =	vst.idx.msk $0xffff, v13  }
0x4a: {  	v15 =	vor.u32 v19, v15;
	[tilespmem:v10+s21+$0x0] =	vst.idx.msk $0xffff, v27;
	v21 =	vld [tilespmem:s31+$0x10]  }
0x4b: {  	v17 =	vor.u32 v7, v30;
	v11 =	vadd.s32 v3, v11;
	[tilespmem:v28+s21+$0x0] =	vst.idx.msk $0xffff, v18;
	v13 =	vld [tilespmem:s31+$0x50]  }
0x4c: {  	v14 =	vor.u32 v14, v11;
	[tilespmem:v29+s21+$0x0] =	vst.idx.msk $0xffff, v23;
	v23 =	vor.u32 v20, v11;
	v22 =	vld [tilespmem:s30+$0x70]  }
0x4d: {  	v16 =	vor.u32 v8, v30;
	v18 =	vor.u32 v12, v11;
	[tilespmem:v62+s21+$0x0] =	vst.idx.msk $0xffff, v63;
	v20 =	vld [tilespmem:s30+$0xFFFFFFB0]  }
0x4e: {  	s1 =	simm.s32 $0x4;
	s0 =	simm.s32 $0x6680;
	v10 =	vor.u32 v4, v30;
	v12 =	vor.u32 v19, v11;
	v11 =	vadd.s32 $0x4, v24;
	[tilespmem:v32+s21+$0x0] =	vst.idx.msk $0xffff, v31;
	v19 =	vld [tilespmem:s30+$0xFFFFFFF0]  }
.LBB2_3:
0x4f: {  	v24 =	vand.u32 $0xFFFFFFF8, v11;
	s1 =	sadd.s32 $0x4, s1;
	v25 =	vld [tilespmem:s31+$0xFFFFFF90];
	[tilespmem:v15+s21+$0x0] =	vst.idx.msk $0xffff, v9  }
0x50: {  	v26 =	vand.u32 $0x4, v11;
	v9 =	vadd.s32 v0, v24;
	p1 =	slt.u32 s1, $0x7C;
	[tilespmem:v17+s21+$0x0] =	vst.idx.msk $0xffff, v21;
	v15 =	vld [tilespmem:s30+$0x30];
	s30 =	smov.u32 s31;
	s31 =	smov.u32 s0  }
0x51: {  	v27 =	vor.u32 $0x1, v26;
	v28 =	vor.u32 $0x2, v26;
	v17 =	vor.u32 v26, v9;
	v21 =	vld [tilespmem:s0+$0xFFFFFFC0];
	[tilespmem:v23+s21+$0x0] =	vst.idx.msk $0xffff, v22  }
0x52: {  	v30 =	vor.u32 $0x3, v26;
	v23 =	vor.u32 v27, v9;
	v29 =	vor.u32 v28, v9;
	v22 =	vld [tilespmem:s0+$0xFFFFFF80];
	[tilespmem:v18+s21+$0x0] =	vst.idx.msk $0xffff, v20  }
0x53: {  	v20 =	vor.u32 v30, v9;
	v18 =	vld [tilespmem:s0+$0x40];
	[tilespmem:v16+s21+$0x0] =	vst.idx.msk $0xffff, v13  }
0x54: {  	v9 =	vld [tilespmem:s30+$0x20];
	[tilespmem:v14+s21+$0x0] =	vst.idx.msk $0xffff, v19  }
0x55: {  	v14 =	vadd.s32 v2, v6;
	v13 =	vld [tilespmem:s0+$0x0];
	[tilespmem:v12+s21+$0x0] =	vst.idx.msk $0xffff, v15  }
0x56: {  	v12 =	vor.u32 v4, v14;
	[tilespmem:v10+s21+$0x0] =	vst.idx.msk $0xffff, v25;
	v19 =	vld [tilespmem:s30+$0x60];
	v25 =	vor.u32 v8, v14  }
0x57: {  	v31 =	vor.u32 v5, v14;
	v15 =	vor.u32 v7, v14;
	[tilespmem:v17+s21+$0x0] =	vst.idx.msk $0xffff, v22;
	v22 =	vld [tilespmem:s30+$0xFFFFFFA0]  }
0x58: {  	v14 =	vadd.s32 v1, v24;
	[tilespmem:v23+s21+$0x0] =	vst.idx.msk $0xffff, v21;
	v32 =	vld [tilespmem:s30+$0xFFFFFFE0]  }
0x59: {  	v34 =	vor.u32 v27, v14;
	v17 =	vor.u32 v28, v14;
	v33 =	vld [tilespmem:s0+$0xFFFFFFD0];
	[tilespmem:v20+s21+$0x0] =	vst.idx.msk $0xffff, v18  }
.Ltmp0:
0x5a: {  	v10 =	vor.u32 v26, v14;
	v16 =	vor.u32 v30, v14;
	[tilespmem:v29+s21+$0x0] =	vst.idx.msk $0xffff, v13;
	v13 =	vld [tilespmem:s0+$0x50];
	(pc) =	sbr.rel @p1 .LBB2_3-.Ltmp0, $4  }
0x5b: {  	v29 =	vadd.s32 v3, v6;
	v6 =	vmov v24;
	v21 =	vld [tilespmem:s0+$0x10];
	[tilespmem:v25+s21+$0x0] =	vst.idx.msk $0xffff, v19  }
0x5c: {  	v18 =	vor.u32 v4, v29;
	v23 =	vor.u32 v8, v29;
	v4 =	vmov v26;
	[tilespmem:v12+s21+$0x0] =	vst.idx.msk $0xffff, v22;
	v22 =	vld [tilespmem:s30+$0x70]  }
0x5d: {  	v14 =	vor.u32 v5, v29;
	v5 =	vmov v27;
	v12 =	vor.u32 v7, v29;
	v20 =	vld [tilespmem:s30+$0xFFFFFFB0];
	[tilespmem:v31+s21+$0x0] =	vst.idx.msk $0xffff, v32  }
0x5e: {  	v11 =	vadd.s32 $0x4, v11;
	s0 =	sadd.s32 $0x100, s0;
	v8 =	vmov v30;
	v7 =	vmov v28;
	[tilespmem:v34+s21+$0x0] =	vst.idx.msk $0xffff, v33;
	v19 =	vld [tilespmem:s30+$0xFFFFFFF0]  }
0x5f: {  	_ =	sdelay $0x1  }
0x60: {  	v11 =	vld [tilespmem:s31+$0xFFFFFF90];
	_ =	sdelay $0x1  }
0x61: {  	[tilespmem:v16+s21+$0x0] =	vst.idx.msk $0xffff, v13;
	v50 =	vadd.s32 v2, v6  }
0x62: {  	[tilespmem:v15+s21+$0x0] =	vst.idx.msk $0xffff, v9;
	v51 =	vld [tilespmem:s31+$0x60];
	v52 =	vor.u32 v8, v50  }
0x63: {  	v56 =	vld [tilespmem:s31+$0xFFFFFFE0];
	[tilespmem:v17+s21+$0x0] =	vst.idx.msk $0xffff, v21;
	v55 =	vor.u32 v5, v50  }
0x64: {  	v13 =	vor.u32 v7, v50;
	v21 =	vld [tilespmem:s31+$0x20];
	[tilespmem:v10+s21+$0x0] =	vst.idx.msk $0xffff, v11  }
0x65: {  	v53 =	vor.u32 v4, v50;
	[tilespmem:v23+s21+$0x0] =	vst.idx.msk $0xffff, v22;
	v54 =	vld [tilespmem:s31+$0xFFFFFFA0]  }
0x66: {  	[tilespmem:v18+s21+$0x0] =	vst.idx.msk $0xffff, v20  }
0x67: {  	v58 =	vadd.s32 v3, v6;
	v57 =	vld [tilespmem:s30+$0x30];
	[tilespmem:v52+s21+$0x0] =	vst.idx.msk $0xffff, v51  }
0x68: {  	v60 =	vor.u32 v8, v58;
	[tilespmem:v55+s21+$0x0] =	vst.idx.msk $0xffff, v56;
	v59 =	vld [tilespmem:s31+$0x70]  }
0x69: {  	v5 =	vor.u32 v5, v58;
	v62 =	vld [tilespmem:s31+$0xFFFFFFF0];
	[tilespmem:v13+s21+$0x0] =	vst.idx.msk $0xffff, v21  }
0x6a: {  	v6 =	vor.u32 v7, v58;
	v63 =	vld [tilespmem:s31+$0x30];
	[tilespmem:v53+s21+$0x0] =	vst.idx.msk $0xffff, v54  }
0x6b: {  	v4 =	vor.u32 v4, v58;
	[tilespmem:v14+s21+$0x0] =	vst.idx.msk $0xffff, v19;
	v61 =	vld [tilespmem:s31+$0xFFFFFFB0]  }
0x6c: {  	[tilespmem:v12+s21+$0x0] =	vst.idx.msk $0xffff, v57  }
0x6d: {  	s0 =	sshll.u32 s28, $0x13;
	[tilespmem:v60+s21+$0x0] =	vst.idx.msk $0xffff, v59  }
0x6e: {  	s0 =	sor.u32 s6, s0;
	[tilespmem:v5+s21+$0x0] =	vst.idx.msk $0xffff, v62  }
0x6f: {  	s30 =	sshrl.u32 s0, $0x3;
	[tilespmem:v6+s21+$0x0] =	vst.idx.msk $0xffff, v63  }
0x70: {  	s0 =	sadd.s32 s2, s30;
	[tilespmem:v4+s21+$0x0] =	vst.idx.msk $0xffff, v61  }
0x71: {  	[hbm4b:s0+s3] =	stream.linear.scatter [tilespmem:s21], [sflag:$0x3], $0x80, $0x38;
	[tilespmem:$0xE800] =	vst v63  }
0x72: {  	s1 =	sadd.s32 $0x10, s0;
	s31 =	simm.s32 $0xA488  }
0x73: {  	[hbm4b:s1+s3] =	stream.linear.scatter [tilespmem:s31], [sflag:$0x3], $0x80, $0x38;
	[tilespmem:$0xE800] =	vst v63  }
0x74: {  	s1 =	sadd.s32 $0x20, s0;
	s31 =	simm.s32 $0xA510  }
0x75: {  	[hbm4b:s1+s3] =	stream.linear.scatter [tilespmem:s31], [sflag:$0x3], $0x80, $0x38;
	[tilespmem:$0xE800] =	vst v63  }
0x76: {  	s1 =	sadd.s32 $0x30, s0;
	s31 =	simm.s32 $0xA598  }
0x77: {  	[hbm4b:s1+s3] =	stream.linear.scatter [tilespmem:s31], [sflag:$0x3], $0x80, $0x38;
	[tilespmem:$0xE800] =	vst v63  }
0x78: {  	s1 =	sadd.s32 $0x40, s0;
	s31 =	simm.s32 $0xA620  }
0x79: {  	[hbm4b:s1+s3] =	stream.linear.scatter [tilespmem:s31], [sflag:$0x3], $0x80, $0x38;
	[tilespmem:$0xE800] =	vst v63  }
0x7a: {  	s1 =	sadd.s32 $0x50, s0;
	s31 =	simm.s32 $0xA6A8  }
0x7b: {  	[hbm4b:s1+s3] =	stream.linear.scatter [tilespmem:s31], [sflag:$0x3], $0x80, $0x38;
	[tilespmem:$0xE800] =	vst v63  }
0x7c: {  	s1 =	sadd.s32 $0x60, s0;
	s31 =	simm.s32 $0xA730  }
0x7d: {  	[hbm4b:s1+s3] =	stream.linear.scatter [tilespmem:s31], [sflag:$0x3], $0x80, $0x38;
	[tilespmem:$0xE800] =	vst v63  }
0x7e: {  	s0 =	sadd.s32 $0x70, s0;
	s31 =	simm.s32 $0xA7B8  }
0x7f: {  	[hbm4b:s0+s3] =	stream.linear.scatter [tilespmem:s31], [sflag:$0x3], $0x80, $0x38;
	[tilespmem:$0xE800] =	vst v63  }
0x80: {  	s0 =	sadd.s32 s30, s7;
	s31 =	simm.s32 $0xA840  }
0x81: {  	[hbm4b:s0+s3] =	stream.linear.scatter [tilespmem:s31], [sflag:$0x3], $0x80, $0x38;
	[tilespmem:$0xE800] =	vst v63  }
0x82: {  	s1 =	sadd.s32 $0x10, s0;
	s31 =	simm.s32 $0xA8C8  }
0x83: {  	[hbm4b:s1+s3] =	stream.linear.scatter [tilespmem:s31], [sflag:$0x3], $0x80, $0x38;
	[tilespmem:$0xE800] =	vst v63  }
0x84: {  	s1 =	sadd.s32 $0x20, s0;
	s31 =	simm.s32 $0xA950  }
0x85: {  	[hbm4b:s1+s3] =	stream.linear.scatter [tilespmem:s31], [sflag:$0x3], $0x80, $0x38;
	[tilespmem:$0xE800] =	vst v63  }
0x86: {  	s1 =	sadd.s32 $0x30, s0;
	s31 =	simm.s32 $0xA9D8  }
0x87: {  	[hbm4b:s1+s3] =	stream.linear.scatter [tilespmem:s31], [sflag:$0x3], $0x80, $0x38;
	[tilespmem:$0xE800] =	vst v63  }
0x88: {  	s1 =	sadd.s32 $0x40, s0;
	s31 =	simm.s32 $0xAA60  }
0x89: {  	[hbm4b:s1+s3] =	stream.linear.scatter [tilespmem:s31], [sflag:$0x3], $0x80, $0x38;
	[tilespmem:$0xE800] =	vst v63  }
0x8a: {  	s1 =	sadd.s32 $0x50, s0;
	s31 =	simm.s32 $0xAAE8  }
0x8b: {  	[hbm4b:s1+s3] =	stream.linear.scatter [tilespmem:s31], [sflag:$0x3], $0x80, $0x38;
	[tilespmem:$0xE800] =	vst v63  }
0x8c: {  	s1 =	sadd.s32 $0x60, s0;
	s31 =	simm.s32 $0xAB70  }
0x8d: {  	[hbm4b:s1+s3] =	stream.linear.scatter [tilespmem:s31], [sflag:$0x3], $0x80, $0x38;
	[tilespmem:$0xE800] =	vst v63  }
0x8e: {  	s0 =	sadd.s32 $0x70, s0;
	s31 =	simm.s32 $0xABF8  }
0x8f: {  	[hbm4b:s0+s3] =	stream.linear.scatter [tilespmem:s31], [sflag:$0x3], $0x80, $0x38;
	[tilespmem:$0xE800] =	vst v63  }
0x90: {  	s0 =	sadd.s32 s30, s8;
	s31 =	simm.s32 $0xAC80  }
0x91: {  	[hbm4b:s0+s3] =	stream.linear.scatter [tilespmem:s31], [sflag:$0x3], $0x80, $0x38;
	[tilespmem:$0xE800] =	vst v63  }
0x92: {  	s1 =	sadd.s32 $0x10, s0;
	s31 =	simm.s32 $0xAD08  }
0x93: {  	[hbm4b:s1+s3] =	stream.linear.scatter [tilespmem:s31], [sflag:$0x3], $0x80, $0x38;
	[tilespmem:$0xE800] =	vst v63  }
0x94: {  	s1 =	sadd.s32 $0x20, s0;
	s31 =	simm.s32 $0xAD90  }
0x95: {  	[hbm4b:s1+s3] =	stream.linear.scatter [tilespmem:s31], [sflag:$0x3], $0x80, $0x38;
	[tilespmem:$0xE800] =	vst v63  }
0x96: {  	s1 =	sadd.s32 $0x30, s0;
	s31 =	simm.s32 $0xAE18  }
0x97: {  	[hbm4b:s1+s3] =	stream.linear.scatter [tilespmem:s31], [sflag:$0x3], $0x80, $0x38;
	[tilespmem:$0xE800] =	vst v63  }
0x98: {  	s1 =	sadd.s32 $0x40, s0;
	s31 =	simm.s32 $0xAEA0  }
0x99: {  	[hbm4b:s1+s3] =	stream.linear.scatter [tilespmem:s31], [sflag:$0x3], $0x80, $0x38;
	[tilespmem:$0xE800] =	vst v63  }
0x9a: {  	s1 =	sadd.s32 $0x50, s0;
	s31 =	simm.s32 $0xAF28  }
0x9b: {  	[hbm4b:s1+s3] =	stream.linear.scatter [tilespmem:s31], [sflag:$0x3], $0x80, $0x38;
	[tilespmem:$0xE800] =	vst v63  }
0x9c: {  	s1 =	sadd.s32 $0x60, s0;
	s31 =	simm.s32 $0xAFB0  }
0x9d: {  	[hbm4b:s1+s3] =	stream.linear.scatter [tilespmem:s31], [sflag:$0x3], $0x80, $0x38;
	[tilespmem:$0xE800] =	vst v63  }
0x9e: {  	s0 =	sadd.s32 $0x70, s0;
	s31 =	simm.s32 $0xB038  }
0x9f: {  	[hbm4b:s0+s3] =	stream.linear.scatter [tilespmem:s31], [sflag:$0x3], $0x80, $0x38;
	[tilespmem:$0xE800] =	vst v63  }
0xa0: {  	s0 =	sadd.s32 s30, s9;
	s31 =	simm.s32 $0xB0C0  }
0xa1: {  	[hbm4b:s0+s3] =	stream.linear.scatter [tilespmem:s31], [sflag:$0x3], $0x80, $0x38;
	[tilespmem:$0xE800] =	vst v63  }
0xa2: {  	s1 =	sadd.s32 $0x10, s0;
	s31 =	simm.s32 $0xB148  }
0xa3: {  	[hbm4b:s1+s3] =	stream.linear.scatter [tilespmem:s31], [sflag:$0x3], $0x80, $0x38;
	[tilespmem:$0xE800] =	vst v63  }
0xa4: {  	s1 =	sadd.s32 $0x20, s0;
	s31 =	simm.s32 $0xB1D0  }
0xa5: {  	[hbm4b:s1+s3] =	stream.linear.scatter [tilespmem:s31], [sflag:$0x3], $0x80, $0x38;
	[tilespmem:$0xE800] =	vst v63  }
0xa6: {  	s1 =	sadd.s32 $0x30, s0;
	s31 =	simm.s32 $0xB258  }
0xa7: {  	[hbm4b:s1+s3] =	stream.linear.scatter [tilespmem:s31], [sflag:$0x3], $0x80, $0x38;
	[tilespmem:$0xE800] =	vst v63  }
0xa8: {  	s1 =	sadd.s32 $0x40, s0;
	s31 =	simm.s32 $0xB2E0  }
0xa9: {  	[hbm4b:s1+s3] =	stream.linear.scatter [tilespmem:s31], [sflag:$0x3], $0x80, $0x38;
	[tilespmem:$0xE800] =	vst v63  }
0xaa: {  	s1 =	sadd.s32 $0x50, s0;
	s31 =	simm.s32 $0xB368  }
0xab: {  	[hbm4b:s1+s3] =	stream.linear.scatter [tilespmem:s31], [sflag:$0x3], $0x80, $0x38;
	[tilespmem:$0xE800] =	vst v63  }
0xac: {  	s1 =	sadd.s32 $0x60, s0;
	s31 =	simm.s32 $0xB3F0  }
0xad: {  	[hbm4b:s1+s3] =	stream.linear.scatter [tilespmem:s31], [sflag:$0x3], $0x80, $0x38;
	[tilespmem:$0xE800] =	vst v63  }
0xae: {  	s0 =	sadd.s32 $0x70, s0;
	s31 =	simm.s32 $0xB478  }
0xaf: {  	[hbm4b:s0+s3] =	stream.linear.scatter [tilespmem:s31], [sflag:$0x3], $0x80, $0x38;
	[tilespmem:$0xE800] =	vst v63  }
0xb0: {  	s0 =	sadd.s32 s30, s10;
	s31 =	simm.s32 $0xB500  }
0xb1: {  	[hbm4b:s0+s3] =	stream.linear.scatter [tilespmem:s31], [sflag:$0x3], $0x80, $0x38;
	[tilespmem:$0xE800] =	vst v63  }
0xb2: {  	s1 =	sadd.s32 $0x10, s0;
	s31 =	simm.s32 $0xB588  }
0xb3: {  	[hbm4b:s1+s3] =	stream.linear.scatter [tilespmem:s31], [sflag:$0x3], $0x80, $0x38;
	[tilespmem:$0xE800] =	vst v63  }
0xb4: {  	s1 =	sadd.s32 $0x20, s0;
	s31 =	simm.s32 $0xB610  }
0xb5: {  	[hbm4b:s1+s3] =	stream.linear.scatter [tilespmem:s31], [sflag:$0x3], $0x80, $0x38;
	[tilespmem:$0xE800] =	vst v63  }
0xb6: {  	s1 =	sadd.s32 $0x30, s0;
	s31 =	simm.s32 $0xB698  }
0xb7: {  	[hbm4b:s1+s3] =	stream.linear.scatter [tilespmem:s31], [sflag:$0x3], $0x80, $0x38;
	[tilespmem:$0xE800] =	vst v63  }
0xb8: {  	s1 =	sadd.s32 $0x40, s0;
	s31 =	simm.s32 $0xB720  }
0xb9: {  	[hbm4b:s1+s3] =	stream.linear.scatter [tilespmem:s31], [sflag:$0x3], $0x80, $0x38;
	[tilespmem:$0xE800] =	vst v63  }
0xba: {  	s1 =	sadd.s32 $0x50, s0;
	s31 =	simm.s32 $0xB7A8  }
0xbb: {  	[hbm4b:s1+s3] =	stream.linear.scatter [tilespmem:s31], [sflag:$0x3], $0x80, $0x38;
	[tilespmem:$0xE800] =	vst v63  }
0xbc: {  	s1 =	sadd.s32 $0x60, s0;
	s31 =	simm.s32 $0xB830  }
0xbd: {  	[hbm4b:s1+s3] =	stream.linear.scatter [tilespmem:s31], [sflag:$0x3], $0x80, $0x38;
	[tilespmem:$0xE800] =	vst v63  }
0xbe: {  	s0 =	sadd.s32 $0x70, s0;
	s31 =	simm.s32 $0xB8B8  }
0xbf: {  	[hbm4b:s0+s3] =	stream.linear.scatter [tilespmem:s31], [sflag:$0x3], $0x80, $0x38;
	[tilespmem:$0xE800] =	vst v63  }
0xc0: {  	s0 =	sadd.s32 s30, s11;
	s31 =	simm.s32 $0xB940  }
0xc1: {  	[hbm4b:s0+s3] =	stream.linear.scatter [tilespmem:s31], [sflag:$0x3], $0x80, $0x38;
	[tilespmem:$0xE800] =	vst v63  }
0xc2: {  	s1 =	sadd.s32 $0x10, s0;
	s31 =	simm.s32 $0xB9C8  }
0xc3: {  	[hbm4b:s1+s3] =	stream.linear.scatter [tilespmem:s31], [sflag:$0x3], $0x80, $0x38;
	[tilespmem:$0xE800] =	vst v63  }
0xc4: {  	s1 =	sadd.s32 $0x20, s0;
	s31 =	simm.s32 $0xBA50  }
0xc5: {  	[hbm4b:s1+s3] =	stream.linear.scatter [tilespmem:s31], [sflag:$0x3], $0x80, $0x38;
	[tilespmem:$0xE800] =	vst v63  }
0xc6: {  	s1 =	sadd.s32 $0x30, s0;
	s31 =	simm.s32 $0xBAD8  }
0xc7: {  	[hbm4b:s1+s3] =	stream.linear.scatter [tilespmem:s31], [sflag:$0x3], $0x80, $0x38;
	[tilespmem:$0xE800] =	vst v63  }
0xc8: {  	s1 =	sadd.s32 $0x40, s0;
	s31 =	simm.s32 $0xBB60  }
0xc9: {  	[hbm4b:s1+s3] =	stream.linear.scatter [tilespmem:s31], [sflag:$0x3], $0x80, $0x38;
	[tilespmem:$0xE800] =	vst v63  }
0xca: {  	s1 =	sadd.s32 $0x50, s0;
	s31 =	simm.s32 $0xBBE8  }
0xcb: {  	[hbm4b:s1+s3] =	stream.linear.scatter [tilespmem:s31], [sflag:$0x3], $0x80, $0x38;
	[tilespmem:$0xE800] =	vst v63  }
0xcc: {  	s1 =	sadd.s32 $0x60, s0;
	s31 =	simm.s32 $0xBC70  }
0xcd: {  	[hbm4b:s1+s3] =	stream.linear.scatter [tilespmem:s31], [sflag:$0x3], $0x80, $0x38;
	[tilespmem:$0xE800] =	vst v63  }
0xce: {  	s0 =	sadd.s32 $0x70, s0;
	s31 =	simm.s32 $0xBCF8  }
0xcf: {  	[hbm4b:s0+s3] =	stream.linear.scatter [tilespmem:s31], [sflag:$0x3], $0x80, $0x38;
	[tilespmem:$0xE800] =	vst v63  }
0xd0: {  	s0 =	sadd.s32 s30, s12;
	s31 =	simm.s32 $0xBD80  }
0xd1: {  	[hbm4b:s0+s3] =	stream.linear.scatter [tilespmem:s31], [sflag:$0x3], $0x80, $0x38;
	[tilespmem:$0xE800] =	vst v63  }
0xd2: {  	s1 =	sadd.s32 $0x10, s0;
	s31 =	simm.s32 $0xBE08  }
0xd3: {  	[hbm4b:s1+s3] =	stream.linear.scatter [tilespmem:s31], [sflag:$0x3], $0x80, $0x38;
	[tilespmem:$0xE800] =	vst v63  }
0xd4: {  	s1 =	sadd.s32 $0x20, s0;
	s31 =	simm.s32 $0xBE90  }
0xd5: {  	[hbm4b:s1+s3] =	stream.linear.scatter [tilespmem:s31], [sflag:$0x3], $0x80, $0x38;
	[tilespmem:$0xE800] =	vst v63  }
0xd6: {  	s1 =	sadd.s32 $0x30, s0;
	s31 =	simm.s32 $0xBF18  }
0xd7: {  	[hbm4b:s1+s3] =	stream.linear.scatter [tilespmem:s31], [sflag:$0x3], $0x80, $0x38;
	[tilespmem:$0xE800] =	vst v63  }
0xd8: {  	s1 =	sadd.s32 $0x40, s0;
	s31 =	simm.s32 $0xBFA0  }
0xd9: {  	[hbm4b:s1+s3] =	stream.linear.scatter [tilespmem:s31], [sflag:$0x3], $0x80, $0x38;
	[tilespmem:$0xE800] =	vst v63  }
0xda: {  	s1 =	sadd.s32 $0x50, s0;
	s31 =	simm.s32 $0xC028  }
0xdb: {  	[hbm4b:s1+s3] =	stream.linear.scatter [tilespmem:s31], [sflag:$0x3], $0x80, $0x38;
	[tilespmem:$0xE800] =	vst v63  }
0xdc: {  	s1 =	sadd.s32 $0x60, s0;
	s31 =	simm.s32 $0xC0B0  }
0xdd: {  	[hbm4b:s1+s3] =	stream.linear.scatter [tilespmem:s31], [sflag:$0x3], $0x80, $0x38;
	[tilespmem:$0xE800] =	vst v63  }
0xde: {  	s0 =	sadd.s32 $0x70, s0;
	s31 =	simm.s32 $0xC138  }
0xdf: {  	[hbm4b:s0+s3] =	stream.linear.scatter [tilespmem:s31], [sflag:$0x3], $0x80, $0x38;
	[tilespmem:$0xE800] =	vst v63  }
0xe0: {  	s0 =	sadd.s32 s30, s13;
	s30 =	simm.s32 $0xC1C0  }
0xe1: {  	[hbm4b:s0+s3] =	stream.linear.scatter [tilespmem:s30], [sflag:$0x3], $0x80, $0x38;
	[tilespmem:$0xE800] =	vst v63  }
0xe2: {  	s31 =	simm.s32 $0xC248;
	s1 =	sadd.s32 $0x10, s0  }
0xe3: {  	[hbm4b:s1+s3] =	stream.linear.scatter [tilespmem:s31], [sflag:$0x3], $0x80, $0x38;
	[tilespmem:$0xE800] =	vst v63  }
0xe4: {  	s1 =	sadd.s32 $0x20, s0;
	s31 =	simm.s32 $0xC2D0  }
0xe5: {  	[hbm4b:s1+s3] =	stream.linear.scatter [tilespmem:s31], [sflag:$0x3], $0x80, $0x38;
	[tilespmem:$0xE800] =	vst v63  }
0xe6: {  	s1 =	sadd.s32 $0x30, s0;
	s31 =	simm.s32 $0xC358  }
0xe7: {  	[hbm4b:s1+s3] =	stream.linear.scatter [tilespmem:s31], [sflag:$0x3], $0x80, $0x38;
	[tilespmem:$0xE800] =	vst v63  }
0xe8: {  	s1 =	sadd.s32 $0x40, s0;
	s31 =	simm.s32 $0xC3E0  }
0xe9: {  	[hbm4b:s1+s3] =	stream.linear.scatter [tilespmem:s31], [sflag:$0x3], $0x80, $0x38;
	[tilespmem:$0xE800] =	vst v63  }
0xea: {  	p1 =	sne.s32 s28, $0x63;
	s1 =	sadd.s32 $0x50, s0;
	s31 =	simm.s32 $0xC468  }
0xeb: {  	[hbm4b:s1+s3] =	stream.linear.scatter [tilespmem:s31], [sflag:$0x3], $0x80, $0x38;
	[tilespmem:$0xE800] =	vst v63  }
.Ltmp1:
0xec: {  	_ = 	snop;
	(pc) =	sbr.rel @p1 .LBB2_6-.Ltmp1, $4  }
0xed: {  	s1 =	sadd.s32 $0x60, s0;
	s31 =	simm.s32 $0xC4F0  }
0xee: {  	[hbm4b:s1+s3] =	stream.linear.scatter [tilespmem:s31], [sflag:$0x3], $0x80, $0x38;
	[tilespmem:$0xE800] =	vst v63  }
0xef: {  	s0 =	sadd.s32 $0x70, s0;
	s31 =	simm.s32 $0xC578  }
0xf0: {  	[hbm4b:s0+s3] =	stream.linear.scatter [tilespmem:s31], [sflag:$0x3], $0x80, $0x38;
	[tilespmem:$0xE800] =	vst v63  }
.Ltmp2:
0xf1: {  	(pc) =	sbr.rel .LBB2_7-.Ltmp2, $4  }
0xf2: {  	_ = 	snop  }
0xf3: {  	_ =	swait.ge [sflag:s5], $0x2000  }
0xf4: {  	[sflag:s5] =	ssyncset.done $0x0  }
0xf5: {  	[sflag:s5] =	ssyncadd.s32 $0xFFFFE000  }
.LBB2_6:
0xf6: {  	s0 =	sshll.u32 s28, $0x8  }
0xf7: {  	s0 =	sand.u32 $0x3FFFFF00, s0  }
.Ltmp3:
0xf8: {  	s1 =	simm.s32 $0x6400;
	s0 =	sadd.s32 $0x100, s0;
	(pc) =	sbr.rel @p0 .LBB2_8-.Ltmp3, $4  }
0xf9: {  	[tilespmem:s1], [sflag:$0x1] =	stream.indirect.gather [hbm4b:s4+s15], $0x40, s0, s15, $0xb8;
	[tilespmem:$0xE800] =	vst v63  }
0xfa: {  	_ =	swait.ge [sflag:s5], $0x2000  }
0xfb: {  	[sflag:s5] =	ssyncset.done $0x0  }
0xfc: {  	[sflag:s5] =	ssyncadd.s32 $0xFFFFE000  }
.LBB2_7:
0xfd: {  	_ =	swait.ge [sflag:s14], $0x400  }
0xfe: {  	[sflag:s14] =	ssyncset.done $0x0  }
0xff: {  	[sflag:s14] =	ssyncadd.s32 $0xFFFFFC00  }
0x100: {  	_ =	swait.ge [sflag:s14], $0x400  }
0x101: {  	[sflag:s14] =	ssyncset.done $0x0  }
0x102: {  	[sflag:s14] =	ssyncadd.s32 $0xFFFFFC00  }
0x103: {  	_ =	swait.ge [sflag:s14], $0x400  }
0x104: {  	[sflag:s14] =	ssyncset.done $0x0  }
0x105: {  	[sflag:s14] =	ssyncadd.s32 $0xFFFFFC00  }
0x106: {  	_ =	swait.ge [sflag:s14], $0x400  }
0x107: {  	[sflag:s14] =	ssyncset.done $0x0  }
0x108: {  	[sflag:s14] =	ssyncadd.s32 $0xFFFFFC00  }
0x109: {  	_ =	swait.ge [sflag:s14], $0x400  }
0x10a: {  	[sflag:s14] =	ssyncset.done $0x0  }
0x10b: {  	[sflag:s14] =	ssyncadd.s32 $0xFFFFFC00  }
0x10c: {  	_ =	swait.ge [sflag:s14], $0x400  }
0x10d: {  	[sflag:s14] =	ssyncset.done $0x0  }
0x10e: {  	[sflag:s14] =	ssyncadd.s32 $0xFFFFFC00  }
0x10f: {  	_ =	swait.ge [sflag:s14], $0x400  }
0x110: {  	[sflag:s14] =	ssyncset.done $0x0  }
0x111: {  	[sflag:s14] =	ssyncadd.s32 $0xFFFFFC00  }
0x112: {  	_ =	swait.ge [sflag:s14], $0x400  }
0x113: {  	[sflag:s14] =	ssyncset.done $0x0  }
0x114: {  	[sflag:s14] =	ssyncadd.s32 $0xFFFFFC00  }
.LBB2_8:
0x115: {  	v4 =	vimm.s32 $0x0  }
0x116: {  	v11 =	vand.u32 $0xFFFFFFF8, v4;
	v12 =	vand.u32 $0x4, v4  }
0x117: {  	s30 =	simm.s32 $0x8480;
	v5 =	vadd.s32 v0, v11;
	v14 =	vor.u32 $0x1, v12  }
0x118: {  	v6 =	vld [tilespmem:s30+$0xFFFFFFC0];
	v19 =	vor.u32 $0x2, v12;
	v7 =	vor.u32 v14, v5  }
0x119: {  	v9 =	vld [tilespmem:s30+$0x0];
	v8 =	vor.u32 v19, v5  }
0x11a: {  	v20 =	vor.u32 $0x3, v12  }
0x11b: {  	v10 =	vld [tilespmem:s30+$0x40];
	v13 =	vor.u32 v20, v5  }
0x11c: {  	v15 =	vld [tilespmem:s30+$0xFFFFFF80];
	v5 =	vor.u32 v12, v5  }
0x11d: {  	[tilespmem:v7+s17+$0x0] =	vst.idx.msk $0xffff, v6  }
0x11e: {  	v7 =	vadd.s32 v1, v11;
	[tilespmem:v8+s17+$0x0] =	vst.idx.msk $0xffff, v9  }
0x11f: {  	v8 =	vor.u32 v19, v7;
	v9 =	vld [tilespmem:s30+$0x10]  }
0x120: {  	[tilespmem:v13+s17+$0x0] =	vst.idx.msk $0xffff, v10;
	v16 =	vld [tilespmem:s30+$0xFFFFFFD0];
	v10 =	vor.u32 v14, v7  }
0x121: {  	s31 =	simm.s32 $0x8580;
	v24 =	vadd.s32 $0x4, v4;
	[tilespmem:v5+s17+$0x0] =	vst.idx.msk $0xffff, v15;
	v13 =	vld [tilespmem:s30+$0x50];
	v15 =	vor.u32 v20, v7  }
0x122: {  	v22 =	vld [tilespmem:s31+$0xFFFFFFC0];
	v6 =	vand.u32 $0xFFFFFFF8, v24  }
0x123: {  	v4 =	vand.u32 $0x4, v24;
	v17 =	vld [tilespmem:s30+$0xFFFFFF90];
	v18 =	vor.u32 v12, v7;
	v21 =	vadd.s32 v0, v6  }
0x124: {  	v25 =	vld [tilespmem:s31+$0xFFFFFF80];
	v5 =	vor.u32 $0x1, v4;
	v23 =	vor.u32 v4, v21;
	[tilespmem:v8+s17+$0x0] =	vst.idx.msk $0xffff, v9  }
0x125: {  	v27 =	vld [tilespmem:s31+$0x40];
	v7 =	vor.u32 $0x2, v4;
	v26 =	vor.u32 v5, v21;
	[tilespmem:v10+s17+$0x0] =	vst.idx.msk $0xffff, v16  }
0x126: {  	v8 =	vor.u32 $0x3, v4;
	v16 =	vor.u32 v7, v21;
	[tilespmem:v15+s17+$0x0] =	vst.idx.msk $0xffff, v13;
	v13 =	vld [tilespmem:s31+$0x0]  }
0x127: {  	v15 =	vadd.s32 v2, v11;
	v10 =	vor.u32 v8, v21;
	v9 =	vld [tilespmem:s30+$0x20]  }
0x128: {  	[tilespmem:v18+s17+$0x0] =	vst.idx.msk $0xffff, v17;
	v18 =	vld [tilespmem:s30+$0x60];
	v28 =	vor.u32 v20, v15  }
0x129: {  	v29 =	vor.u32 v12, v15;
	[tilespmem:v23+s17+$0x0] =	vst.idx.msk $0xffff, v25;
	v23 =	vld [tilespmem:s30+$0xFFFFFFA0]  }
0x12a: {  	v30 =	vadd.s32 v1, v6;
	v62 =	vor.u32 v14, v15;
	[tilespmem:v26+s17+$0x0] =	vst.idx.msk $0xffff, v22;
	v63 =	vld [tilespmem:s30+$0xFFFFFFE0]  }
0x12b: {  	v32 =	vor.u32 v5, v30;
	v31 =	vld [tilespmem:s31+$0xFFFFFFD0];
	[tilespmem:v16+s17+$0x0] =	vst.idx.msk $0xffff, v13  }
0x12c: {  	v15 =	vor.u32 v19, v15;
	[tilespmem:v10+s17+$0x0] =	vst.idx.msk $0xffff, v27;
	v21 =	vld [tilespmem:s31+$0x10]  }
0x12d: {  	v17 =	vor.u32 v7, v30;
	v11 =	vadd.s32 v3, v11;
	[tilespmem:v28+s17+$0x0] =	vst.idx.msk $0xffff, v18;
	v13 =	vld [tilespmem:s31+$0x50]  }
0x12e: {  	v14 =	vor.u32 v14, v11;
	[tilespmem:v29+s17+$0x0] =	vst.idx.msk $0xffff, v23;
	v23 =	vor.u32 v20, v11;
	v22 =	vld [tilespmem:s30+$0x70]  }
0x12f: {  	v16 =	vor.u32 v8, v30;
	v18 =	vor.u32 v12, v11;
	[tilespmem:v62+s17+$0x0] =	vst.idx.msk $0xffff, v63;
	v20 =	vld [tilespmem:s30+$0xFFFFFFB0]  }
0x130: {  	s1 =	simm.s32 $0x4;
	s0 =	simm.s32 $0x8680;
	v10 =	vor.u32 v4, v30;
	v12 =	vor.u32 v19, v11;
	v11 =	vadd.s32 $0x4, v24;
	[tilespmem:v32+s17+$0x0] =	vst.idx.msk $0xffff, v31;
	v19 =	vld [tilespmem:s30+$0xFFFFFFF0]  }
.LBB2_9:
0x131: {  	v24 =	vand.u32 $0xFFFFFFF8, v11;
	s1 =	sadd.s32 $0x4, s1;
	v25 =	vld [tilespmem:s31+$0xFFFFFF90];
	[tilespmem:v15+s17+$0x0] =	vst.idx.msk $0xffff, v9  }
0x132: {  	v26 =	vand.u32 $0x4, v11;
	v9 =	vadd.s32 v0, v24;
	p0 =	slt.u32 s1, $0x7C;
	[tilespmem:v17+s17+$0x0] =	vst.idx.msk $0xffff, v21;
	v15 =	vld [tilespmem:s30+$0x30];
	s30 =	smov.u32 s31;
	s31 =	smov.u32 s0  }
0x133: {  	v27 =	vor.u32 $0x1, v26;
	v28 =	vor.u32 $0x2, v26;
	v17 =	vor.u32 v26, v9;
	v21 =	vld [tilespmem:s0+$0xFFFFFFC0];
	[tilespmem:v23+s17+$0x0] =	vst.idx.msk $0xffff, v22  }
0x134: {  	v30 =	vor.u32 $0x3, v26;
	v23 =	vor.u32 v27, v9;
	v29 =	vor.u32 v28, v9;
	v22 =	vld [tilespmem:s0+$0xFFFFFF80];
	[tilespmem:v18+s17+$0x0] =	vst.idx.msk $0xffff, v20  }
0x135: {  	v20 =	vor.u32 v30, v9;
	v18 =	vld [tilespmem:s0+$0x40];
	[tilespmem:v16+s17+$0x0] =	vst.idx.msk $0xffff, v13  }
0x136: {  	v9 =	vld [tilespmem:s30+$0x20];
	[tilespmem:v14+s17+$0x0] =	vst.idx.msk $0xffff, v19  }
0x137: {  	v14 =	vadd.s32 v2, v6;
	v13 =	vld [tilespmem:s0+$0x0];
	[tilespmem:v12+s17+$0x0] =	vst.idx.msk $0xffff, v15  }
0x138: {  	v12 =	vor.u32 v4, v14;
	[tilespmem:v10+s17+$0x0] =	vst.idx.msk $0xffff, v25;
	v19 =	vld [tilespmem:s30+$0x60];
	v25 =	vor.u32 v8, v14  }
0x139: {  	v31 =	vor.u32 v5, v14;
	v15 =	vor.u32 v7, v14;
	[tilespmem:v17+s17+$0x0] =	vst.idx.msk $0xffff, v22;
	v22 =	vld [tilespmem:s30+$0xFFFFFFA0]  }
0x13a: {  	v14 =	vadd.s32 v1, v24;
	[tilespmem:v23+s17+$0x0] =	vst.idx.msk $0xffff, v21;
	v32 =	vld [tilespmem:s30+$0xFFFFFFE0]  }
0x13b: {  	v34 =	vor.u32 v27, v14;
	v17 =	vor.u32 v28, v14;
	v33 =	vld [tilespmem:s0+$0xFFFFFFD0];
	[tilespmem:v20+s17+$0x0] =	vst.idx.msk $0xffff, v18  }
.Ltmp4:
0x13c: {  	v10 =	vor.u32 v26, v14;
	v16 =	vor.u32 v30, v14;
	[tilespmem:v29+s17+$0x0] =	vst.idx.msk $0xffff, v13;
	v13 =	vld [tilespmem:s0+$0x50];
	(pc) =	sbr.rel @p0 .LBB2_9-.Ltmp4, $4  }
0x13d: {  	v29 =	vadd.s32 v3, v6;
	v6 =	vmov v24;
	v21 =	vld [tilespmem:s0+$0x10];
	[tilespmem:v25+s17+$0x0] =	vst.idx.msk $0xffff, v19  }
0x13e: {  	v18 =	vor.u32 v4, v29;
	v23 =	vor.u32 v8, v29;
	v4 =	vmov v26;
	[tilespmem:v12+s17+$0x0] =	vst.idx.msk $0xffff, v22;
	v22 =	vld [tilespmem:s30+$0x70]  }
0x13f: {  	v14 =	vor.u32 v5, v29;
	v5 =	vmov v27;
	v12 =	vor.u32 v7, v29;
	v20 =	vld [tilespmem:s30+$0xFFFFFFB0];
	[tilespmem:v31+s17+$0x0] =	vst.idx.msk $0xffff, v32  }
0x140: {  	v11 =	vadd.s32 $0x4, v11;
	s0 =	sadd.s32 $0x100, s0;
	v8 =	vmov v30;
	v7 =	vmov v28;
	[tilespmem:v34+s17+$0x0] =	vst.idx.msk $0xffff, v33;
	v19 =	vld [tilespmem:s30+$0xFFFFFFF0]  }
0x141: {  	_ =	sdelay $0x1  }
0x142: {  	v11 =	vld [tilespmem:s31+$0xFFFFFF90];
	_ =	sdelay $0x1  }
0x143: {  	[tilespmem:v16+s17+$0x0] =	vst.idx.msk $0xffff, v13;
	v50 =	vadd.s32 v2, v6  }
0x144: {  	[tilespmem:v15+s17+$0x0] =	vst.idx.msk $0xffff, v9;
	v51 =	vld [tilespmem:s31+$0x60];
	v52 =	vor.u32 v8, v50  }
0x145: {  	v56 =	vld [tilespmem:s31+$0xFFFFFFE0];
	[tilespmem:v17+s17+$0x0] =	vst.idx.msk $0xffff, v21;
	v55 =	vor.u32 v5, v50  }
0x146: {  	v13 =	vor.u32 v7, v50;
	v21 =	vld [tilespmem:s31+$0x20];
	[tilespmem:v10+s17+$0x0] =	vst.idx.msk $0xffff, v11  }
0x147: {  	v53 =	vor.u32 v4, v50;
	[tilespmem:v23+s17+$0x0] =	vst.idx.msk $0xffff, v22;
	v54 =	vld [tilespmem:s31+$0xFFFFFFA0]  }
0x148: {  	[tilespmem:v18+s17+$0x0] =	vst.idx.msk $0xffff, v20  }
0x149: {  	v58 =	vadd.s32 v3, v6;
	v57 =	vld [tilespmem:s30+$0x30];
	[tilespmem:v52+s17+$0x0] =	vst.idx.msk $0xffff, v51  }
0x14a: {  	v60 =	vor.u32 v8, v58;
	[tilespmem:v55+s17+$0x0] =	vst.idx.msk $0xffff, v56;
	v59 =	vld [tilespmem:s31+$0x70]  }
0x14b: {  	v5 =	vor.u32 v5, v58;
	v62 =	vld [tilespmem:s31+$0xFFFFFFF0];
	[tilespmem:v13+s17+$0x0] =	vst.idx.msk $0xffff, v21  }
0x14c: {  	v6 =	vor.u32 v7, v58;
	v63 =	vld [tilespmem:s31+$0x30];
	[tilespmem:v53+s17+$0x0] =	vst.idx.msk $0xffff, v54  }
0x14d: {  	v4 =	vor.u32 v4, v58;
	[tilespmem:v14+s17+$0x0] =	vst.idx.msk $0xffff, v19;
	v61 =	vld [tilespmem:s31+$0xFFFFFFB0]  }
0x14e: {  	[tilespmem:v12+s17+$0x0] =	vst.idx.msk $0xffff, v57  }
0x14f: {  	s0 =	sshll.u32 s29, $0x12;
	[tilespmem:v60+s17+$0x0] =	vst.idx.msk $0xffff, v59  }
0x150: {  	s0 =	sor.u32 s6, s0;
	[tilespmem:v5+s17+$0x0] =	vst.idx.msk $0xffff, v62  }
0x151: {  	s29 =	sshrl.u32 s0, $0x3;
	[tilespmem:v6+s17+$0x0] =	vst.idx.msk $0xffff, v63  }
0x152: {  	s0 =	sadd.s32 s2, s29;
	[tilespmem:v4+s17+$0x0] =	vst.idx.msk $0xffff, v61  }
0x153: {  	[hbm4b:s0+s3] =	stream.linear.scatter [tilespmem:s17], [sflag:$0x4], $0x80, $0x38;
	[tilespmem:$0xE800] =	vst v63  }
0x154: {  	s1 =	sadd.s32 $0x10, s0;
	s31 =	simm.s32 $0xC688  }
0x155: {  	[hbm4b:s1+s3] =	stream.linear.scatter [tilespmem:s31], [sflag:$0x4], $0x80, $0x38;
	[tilespmem:$0xE800] =	vst v63  }
0x156: {  	s1 =	sadd.s32 $0x20, s0;
	s31 =	simm.s32 $0xC710  }
0x157: {  	[hbm4b:s1+s3] =	stream.linear.scatter [tilespmem:s31], [sflag:$0x4], $0x80, $0x38;
	[tilespmem:$0xE800] =	vst v63  }
0x158: {  	s1 =	sadd.s32 $0x30, s0;
	s31 =	simm.s32 $0xC798  }
0x159: {  	[hbm4b:s1+s3] =	stream.linear.scatter [tilespmem:s31], [sflag:$0x4], $0x80, $0x38;
	[tilespmem:$0xE800] =	vst v63  }
0x15a: {  	s1 =	sadd.s32 $0x40, s0;
	s31 =	simm.s32 $0xC820  }
0x15b: {  	[hbm4b:s1+s3] =	stream.linear.scatter [tilespmem:s31], [sflag:$0x4], $0x80, $0x38;
	[tilespmem:$0xE800] =	vst v63  }
0x15c: {  	s1 =	sadd.s32 $0x50, s0;
	s31 =	simm.s32 $0xC8A8  }
0x15d: {  	[hbm4b:s1+s3] =	stream.linear.scatter [tilespmem:s31], [sflag:$0x4], $0x80, $0x38;
	[tilespmem:$0xE800] =	vst v63  }
0x15e: {  	s1 =	sadd.s32 $0x60, s0;
	s31 =	simm.s32 $0xC930  }
0x15f: {  	[hbm4b:s1+s3] =	stream.linear.scatter [tilespmem:s31], [sflag:$0x4], $0x80, $0x38;
	[tilespmem:$0xE800] =	vst v63  }
0x160: {  	s0 =	sadd.s32 $0x70, s0;
	s31 =	simm.s32 $0xC9B8  }
0x161: {  	[hbm4b:s0+s3] =	stream.linear.scatter [tilespmem:s31], [sflag:$0x4], $0x80, $0x38;
	[tilespmem:$0xE800] =	vst v63  }
0x162: {  	s30 =	simm.s32 $0xCA40;
	s0 =	sadd.s32 s29, s7  }
0x163: {  	[hbm4b:s0+s3] =	stream.linear.scatter [tilespmem:s30], [sflag:$0x4], $0x80, $0x38;
	[tilespmem:$0xE800] =	vst v63  }
0x164: {  	s31 =	simm.s32 $0xCAC8;
	s1 =	sadd.s32 $0x10, s0  }
0x165: {  	[hbm4b:s1+s3] =	stream.linear.scatter [tilespmem:s31], [sflag:$0x4], $0x80, $0x38;
	[tilespmem:$0xE800] =	vst v63  }
0x166: {  	s1 =	sadd.s32 $0x20, s0;
	s31 =	simm.s32 $0xCB50  }
0x167: {  	[hbm4b:s1+s3] =	stream.linear.scatter [tilespmem:s31], [sflag:$0x4], $0x80, $0x38;
	[tilespmem:$0xE800] =	vst v63  }
0x168: {  	s1 =	sadd.s32 $0x30, s0;
	s31 =	simm.s32 $0xCBD8  }
0x169: {  	[hbm4b:s1+s3] =	stream.linear.scatter [tilespmem:s31], [sflag:$0x4], $0x80, $0x38;
	[tilespmem:$0xE800] =	vst v63  }
0x16a: {  	s1 =	sadd.s32 $0x40, s0;
	s31 =	simm.s32 $0xCC60  }
0x16b: {  	[hbm4b:s1+s3] =	stream.linear.scatter [tilespmem:s31], [sflag:$0x4], $0x80, $0x38;
	[tilespmem:$0xE800] =	vst v63  }
0x16c: {  	s1 =	sadd.s32 $0x50, s0;
	s31 =	simm.s32 $0xCCE8  }
0x16d: {  	[hbm4b:s1+s3] =	stream.linear.scatter [tilespmem:s31], [sflag:$0x4], $0x80, $0x38;
	[tilespmem:$0xE800] =	vst v63  }
0x16e: {  	s1 =	sadd.s32 $0x60, s0;
	s31 =	simm.s32 $0xCD70  }
0x16f: {  	[hbm4b:s1+s3] =	stream.linear.scatter [tilespmem:s31], [sflag:$0x4], $0x80, $0x38;
	[tilespmem:$0xE800] =	vst v63  }
0x170: {  	s0 =	sadd.s32 $0x70, s0;
	s31 =	simm.s32 $0xCDF8  }
0x171: {  	[hbm4b:s0+s3] =	stream.linear.scatter [tilespmem:s31], [sflag:$0x4], $0x80, $0x38;
	[tilespmem:$0xE800] =	vst v63  }
0x172: {  	s30 =	simm.s32 $0xCE80;
	s0 =	sadd.s32 s29, s8  }
0x173: {  	[hbm4b:s0+s3] =	stream.linear.scatter [tilespmem:s30], [sflag:$0x4], $0x80, $0x38;
	[tilespmem:$0xE800] =	vst v63  }
0x174: {  	s31 =	simm.s32 $0xCF08;
	s1 =	sadd.s32 $0x10, s0  }
0x175: {  	[hbm4b:s1+s3] =	stream.linear.scatter [tilespmem:s31], [sflag:$0x4], $0x80, $0x38;
	[tilespmem:$0xE800] =	vst v63  }
0x176: {  	s1 =	sadd.s32 $0x20, s0;
	s31 =	simm.s32 $0xCF90  }
0x177: {  	[hbm4b:s1+s3] =	stream.linear.scatter [tilespmem:s31], [sflag:$0x4], $0x80, $0x38;
	[tilespmem:$0xE800] =	vst v63  }
0x178: {  	s1 =	sadd.s32 $0x30, s0;
	s31 =	simm.s32 $0xD018  }
0x179: {  	[hbm4b:s1+s3] =	stream.linear.scatter [tilespmem:s31], [sflag:$0x4], $0x80, $0x38;
	[tilespmem:$0xE800] =	vst v63  }
0x17a: {  	s1 =	sadd.s32 $0x40, s0;
	s31 =	simm.s32 $0xD0A0  }
0x17b: {  	[hbm4b:s1+s3] =	stream.linear.scatter [tilespmem:s31], [sflag:$0x4], $0x80, $0x38;
	[tilespmem:$0xE800] =	vst v63  }
0x17c: {  	s1 =	sadd.s32 $0x50, s0;
	s31 =	simm.s32 $0xD128  }
0x17d: {  	[hbm4b:s1+s3] =	stream.linear.scatter [tilespmem:s31], [sflag:$0x4], $0x80, $0x38;
	[tilespmem:$0xE800] =	vst v63  }
0x17e: {  	s1 =	sadd.s32 $0x60, s0;
	s31 =	simm.s32 $0xD1B0  }
0x17f: {  	[hbm4b:s1+s3] =	stream.linear.scatter [tilespmem:s31], [sflag:$0x4], $0x80, $0x38;
	[tilespmem:$0xE800] =	vst v63  }
0x180: {  	s0 =	sadd.s32 $0x70, s0;
	s31 =	simm.s32 $0xD238  }
0x181: {  	[hbm4b:s0+s3] =	stream.linear.scatter [tilespmem:s31], [sflag:$0x4], $0x80, $0x38;
	[tilespmem:$0xE800] =	vst v63  }
0x182: {  	s30 =	simm.s32 $0xD2C0;
	s0 =	sadd.s32 s29, s9  }
0x183: {  	[hbm4b:s0+s3] =	stream.linear.scatter [tilespmem:s30], [sflag:$0x4], $0x80, $0x38;
	[tilespmem:$0xE800] =	vst v63  }
0x184: {  	s31 =	simm.s32 $0xD348;
	s1 =	sadd.s32 $0x10, s0  }
0x185: {  	[hbm4b:s1+s3] =	stream.linear.scatter [tilespmem:s31], [sflag:$0x4], $0x80, $0x38;
	[tilespmem:$0xE800] =	vst v63  }
0x186: {  	s1 =	sadd.s32 $0x20, s0;
	s31 =	simm.s32 $0xD3D0  }
0x187: {  	[hbm4b:s1+s3] =	stream.linear.scatter [tilespmem:s31], [sflag:$0x4], $0x80, $0x38;
	[tilespmem:$0xE800] =	vst v63  }
0x188: {  	s1 =	sadd.s32 $0x30, s0;
	s31 =	simm.s32 $0xD458  }
0x189: {  	[hbm4b:s1+s3] =	stream.linear.scatter [tilespmem:s31], [sflag:$0x4], $0x80, $0x38;
	[tilespmem:$0xE800] =	vst v63  }
0x18a: {  	s1 =	sadd.s32 $0x40, s0;
	s31 =	simm.s32 $0xD4E0  }
0x18b: {  	[hbm4b:s1+s3] =	stream.linear.scatter [tilespmem:s31], [sflag:$0x4], $0x80, $0x38;
	[tilespmem:$0xE800] =	vst v63  }
0x18c: {  	s1 =	sadd.s32 $0x50, s0;
	s31 =	simm.s32 $0xD568  }
0x18d: {  	[hbm4b:s1+s3] =	stream.linear.scatter [tilespmem:s31], [sflag:$0x4], $0x80, $0x38;
	[tilespmem:$0xE800] =	vst v63  }
0x18e: {  	s1 =	sadd.s32 $0x60, s0;
	s31 =	simm.s32 $0xD5F0  }
0x18f: {  	[hbm4b:s1+s3] =	stream.linear.scatter [tilespmem:s31], [sflag:$0x4], $0x80, $0x38;
	[tilespmem:$0xE800] =	vst v63  }
0x190: {  	s0 =	sadd.s32 $0x70, s0;
	s31 =	simm.s32 $0xD678  }
0x191: {  	[hbm4b:s0+s3] =	stream.linear.scatter [tilespmem:s31], [sflag:$0x4], $0x80, $0x38;
	[tilespmem:$0xE800] =	vst v63  }
0x192: {  	s30 =	simm.s32 $0xD700;
	s0 =	sadd.s32 s29, s10  }
0x193: {  	[hbm4b:s0+s3] =	stream.linear.scatter [tilespmem:s30], [sflag:$0x4], $0x80, $0x38;
	[tilespmem:$0xE800] =	vst v63  }
0x194: {  	s31 =	simm.s32 $0xD788;
	s1 =	sadd.s32 $0x10, s0  }
0x195: {  	[hbm4b:s1+s3] =	stream.linear.scatter [tilespmem:s31], [sflag:$0x4], $0x80, $0x38;
	[tilespmem:$0xE800] =	vst v63  }
0x196: {  	s1 =	sadd.s32 $0x20, s0;
	s31 =	simm.s32 $0xD810  }
0x197: {  	[hbm4b:s1+s3] =	stream.linear.scatter [tilespmem:s31], [sflag:$0x4], $0x80, $0x38;
	[tilespmem:$0xE800] =	vst v63  }
0x198: {  	s1 =	sadd.s32 $0x30, s0;
	s31 =	simm.s32 $0xD898  }
0x199: {  	[hbm4b:s1+s3] =	stream.linear.scatter [tilespmem:s31], [sflag:$0x4], $0x80, $0x38;
	[tilespmem:$0xE800] =	vst v63  }
0x19a: {  	s1 =	sadd.s32 $0x40, s0;
	s31 =	simm.s32 $0xD920  }
0x19b: {  	[hbm4b:s1+s3] =	stream.linear.scatter [tilespmem:s31], [sflag:$0x4], $0x80, $0x38;
	[tilespmem:$0xE800] =	vst v63  }
0x19c: {  	s1 =	sadd.s32 $0x50, s0;
	s31 =	simm.s32 $0xD9A8  }
0x19d: {  	[hbm4b:s1+s3] =	stream.linear.scatter [tilespmem:s31], [sflag:$0x4], $0x80, $0x38;
	[tilespmem:$0xE800] =	vst v63  }
0x19e: {  	s1 =	sadd.s32 $0x60, s0;
	s31 =	simm.s32 $0xDA30  }
0x19f: {  	[hbm4b:s1+s3] =	stream.linear.scatter [tilespmem:s31], [sflag:$0x4], $0x80, $0x38;
	[tilespmem:$0xE800] =	vst v63  }
0x1a0: {  	s0 =	sadd.s32 $0x70, s0;
	s31 =	simm.s32 $0xDAB8  }
0x1a1: {  	[hbm4b:s0+s3] =	stream.linear.scatter [tilespmem:s31], [sflag:$0x4], $0x80, $0x38;
	[tilespmem:$0xE800] =	vst v63  }
0x1a2: {  	s30 =	simm.s32 $0xDB40;
	s0 =	sadd.s32 s29, s11  }
0x1a3: {  	[hbm4b:s0+s3] =	stream.linear.scatter [tilespmem:s30], [sflag:$0x4], $0x80, $0x38;
	[tilespmem:$0xE800] =	vst v63  }
0x1a4: {  	s31 =	simm.s32 $0xDBC8;
	s1 =	sadd.s32 $0x10, s0  }
0x1a5: {  	[hbm4b:s1+s3] =	stream.linear.scatter [tilespmem:s31], [sflag:$0x4], $0x80, $0x38;
	[tilespmem:$0xE800] =	vst v63  }
0x1a6: {  	s1 =	sadd.s32 $0x20, s0;
	s31 =	simm.s32 $0xDC50  }
0x1a7: {  	[hbm4b:s1+s3] =	stream.linear.scatter [tilespmem:s31], [sflag:$0x4], $0x80, $0x38;
	[tilespmem:$0xE800] =	vst v63  }
0x1a8: {  	s1 =	sadd.s32 $0x30, s0;
	s31 =	simm.s32 $0xDCD8  }
0x1a9: {  	[hbm4b:s1+s3] =	stream.linear.scatter [tilespmem:s31], [sflag:$0x4], $0x80, $0x38;
	[tilespmem:$0xE800] =	vst v63  }
0x1aa: {  	s1 =	sadd.s32 $0x40, s0;
	s31 =	simm.s32 $0xDD60  }
0x1ab: {  	[hbm4b:s1+s3] =	stream.linear.scatter [tilespmem:s31], [sflag:$0x4], $0x80, $0x38;
	[tilespmem:$0xE800] =	vst v63  }
0x1ac: {  	s1 =	sadd.s32 $0x50, s0;
	s31 =	simm.s32 $0xDDE8  }
0x1ad: {  	[hbm4b:s1+s3] =	stream.linear.scatter [tilespmem:s31], [sflag:$0x4], $0x80, $0x38;
	[tilespmem:$0xE800] =	vst v63  }
0x1ae: {  	s1 =	sadd.s32 $0x60, s0;
	s31 =	simm.s32 $0xDE70  }
0x1af: {  	[hbm4b:s1+s3] =	stream.linear.scatter [tilespmem:s31], [sflag:$0x4], $0x80, $0x38;
	[tilespmem:$0xE800] =	vst v63  }
0x1b0: {  	s0 =	sadd.s32 $0x70, s0;
	s31 =	simm.s32 $0xDEF8  }
0x1b1: {  	[hbm4b:s0+s3] =	stream.linear.scatter [tilespmem:s31], [sflag:$0x4], $0x80, $0x38;
	[tilespmem:$0xE800] =	vst v63  }
0x1b2: {  	s30 =	simm.s32 $0xDF80;
	s0 =	sadd.s32 s29, s12  }
0x1b3: {  	[hbm4b:s0+s3] =	stream.linear.scatter [tilespmem:s30], [sflag:$0x4], $0x80, $0x38;
	[tilespmem:$0xE800] =	vst v63  }
0x1b4: {  	s31 =	simm.s32 $0xE008;
	s1 =	sadd.s32 $0x10, s0  }
0x1b5: {  	[hbm4b:s1+s3] =	stream.linear.scatter [tilespmem:s31], [sflag:$0x4], $0x80, $0x38;
	[tilespmem:$0xE800] =	vst v63  }
0x1b6: {  	s1 =	sadd.s32 $0x20, s0;
	s31 =	simm.s32 $0xE090  }
0x1b7: {  	[hbm4b:s1+s3] =	stream.linear.scatter [tilespmem:s31], [sflag:$0x4], $0x80, $0x38;
	[tilespmem:$0xE800] =	vst v63  }
0x1b8: {  	s1 =	sadd.s32 $0x30, s0;
	s31 =	simm.s32 $0xE118  }
0x1b9: {  	[hbm4b:s1+s3] =	stream.linear.scatter [tilespmem:s31], [sflag:$0x4], $0x80, $0x38;
	[tilespmem:$0xE800] =	vst v63  }
0x1ba: {  	s1 =	sadd.s32 $0x40, s0;
	s31 =	simm.s32 $0xE1A0  }
0x1bb: {  	[hbm4b:s1+s3] =	stream.linear.scatter [tilespmem:s31], [sflag:$0x4], $0x80, $0x38;
	[tilespmem:$0xE800] =	vst v63  }
0x1bc: {  	s1 =	sadd.s32 $0x50, s0;
	s31 =	simm.s32 $0xE228  }
0x1bd: {  	[hbm4b:s1+s3] =	stream.linear.scatter [tilespmem:s31], [sflag:$0x4], $0x80, $0x38;
	[tilespmem:$0xE800] =	vst v63  }
0x1be: {  	s1 =	sadd.s32 $0x60, s0;
	s31 =	simm.s32 $0xE2B0  }
0x1bf: {  	[hbm4b:s1+s3] =	stream.linear.scatter [tilespmem:s31], [sflag:$0x4], $0x80, $0x38;
	[tilespmem:$0xE800] =	vst v63  }
0x1c0: {  	s0 =	sadd.s32 $0x70, s0;
	s31 =	simm.s32 $0xE338  }
0x1c1: {  	[hbm4b:s0+s3] =	stream.linear.scatter [tilespmem:s31], [sflag:$0x4], $0x80, $0x38;
	[tilespmem:$0xE800] =	vst v63  }
0x1c2: {  	s0 =	sadd.s32 s29, s13  }
0x1c3: {  	[hbm4b:s0+s3] =	stream.linear.scatter [tilespmem:s16], [sflag:$0x4], $0x80, $0x38;
	[tilespmem:$0xE800] =	vst v63  }
0x1c4: {  	s29 =	sadd.s32 $0x10, s0  }
0x1c5: {  	[hbm4b:s29+s3] =	stream.linear.scatter [tilespmem:s18], [sflag:$0x4], $0x80, $0x38;
	[tilespmem:$0xE800] =	vst v63  }
0x1c6: {  	s30 =	sadd.s32 $0x20, s0  }
0x1c7: {  	[hbm4b:s30+s3] =	stream.linear.scatter [tilespmem:s19], [sflag:$0x4], $0x80, $0x38;
	[tilespmem:$0xE800] =	vst v63  }
0x1c8: {  	s31 =	sadd.s32 $0x30, s0  }
0x1c9: {  	[hbm4b:s31+s3] =	stream.linear.scatter [tilespmem:s22], [sflag:$0x4], $0x80, $0x38;
	[tilespmem:$0xE800] =	vst v63  }
0x1ca: {  	s28 =	sadd.s32 $0x1, s28;
	s29 =	sadd.s32 $0x40, s0  }
0x1cb: {  	[hbm4b:s29+s3] =	stream.linear.scatter [tilespmem:s23], [sflag:$0x4], $0x80, $0x38;
	[tilespmem:$0xE800] =	vst v63  }
0x1cc: {  	p0 =	sne.s32 s28, $0x64;
	s30 =	sadd.s32 $0x50, s0  }
0x1cd: {  	[hbm4b:s30+s3] =	stream.linear.scatter [tilespmem:s24], [sflag:$0x4], $0x80, $0x38;
	[tilespmem:$0xE800] =	vst v63  }
.Ltmp5:
0x1ce: {  	_ = 	snop;
	(pc) =	sbr.rel @p0 .LBB2_2-.Ltmp5, $4  }
0x1cf: {  	s31 =	sadd.s32 $0x60, s0  }
0x1d0: {  	[hbm4b:s31+s3] =	stream.linear.scatter [tilespmem:s25], [sflag:$0x4], $0x80, $0x38;
	[tilespmem:$0xE800] =	vst v63  }
0x1d1: {  	s0 =	sadd.s32 $0x70, s0  }
0x1d2: {  	[hbm4b:s0+s3] =	stream.linear.scatter [tilespmem:s26], [sflag:$0x4], $0x80, $0x38;
	[tilespmem:$0xE800] =	vst v63  }
0x1d3: {  	s0 =	simm.s32 $0x3  }
0x1d4: {  	_ =	swait.ge [sflag:s0], $0x400  }
0x1d5: {  	[sflag:s0] =	ssyncset.done $0x0  }
0x1d6: {  	[sflag:s0] =	ssyncadd.s32 $0xFFFFFC00  }
0x1d7: {  	_ =	swait.ge [sflag:s0], $0x400  }
0x1d8: {  	[sflag:s0] =	ssyncset.done $0x0  }
0x1d9: {  	[sflag:s0] =	ssyncadd.s32 $0xFFFFFC00  }
0x1da: {  	_ =	swait.ge [sflag:s0], $0x400  }
0x1db: {  	[sflag:s0] =	ssyncset.done $0x0  }
0x1dc: {  	[sflag:s0] =	ssyncadd.s32 $0xFFFFFC00  }
0x1dd: {  	_ =	swait.ge [sflag:s0], $0x400  }
0x1de: {  	[sflag:s0] =	ssyncset.done $0x0  }
0x1df: {  	[sflag:s0] =	ssyncadd.s32 $0xFFFFFC00  }
0x1e0: {  	_ =	swait.ge [sflag:s0], $0x400  }
0x1e1: {  	[sflag:s0] =	ssyncset.done $0x0  }
0x1e2: {  	[sflag:s0] =	ssyncadd.s32 $0xFFFFFC00  }
0x1e3: {  	_ =	swait.ge [sflag:s0], $0x400  }
0x1e4: {  	[sflag:s0] =	ssyncset.done $0x0  }
0x1e5: {  	[sflag:s0] =	ssyncadd.s32 $0xFFFFFC00  }
0x1e6: {  	_ =	swait.ge [sflag:s0], $0x400  }
0x1e7: {  	[sflag:s0] =	ssyncset.done $0x0  }
0x1e8: {  	[sflag:s0] =	ssyncadd.s32 $0xFFFFFC00  }
0x1e9: {  	_ =	swait.ge [sflag:s0], $0x400  }
0x1ea: {  	[sflag:s0] =	ssyncset.done $0x0  }
0x1eb: {  	[sflag:s0] =	ssyncadd.s32 $0xFFFFFC00  }
0x1ec: {  	_ =	swait.ge [sflag:s14], $0x400  }
0x1ed: {  	[sflag:s14] =	ssyncset.done $0x0  }
0x1ee: {  	[sflag:s14] =	ssyncadd.s32 $0xFFFFFC00  }
0x1ef: {  	_ =	swait.ge [sflag:s14], $0x400  }
0x1f0: {  	[sflag:s14] =	ssyncset.done $0x0  }
0x1f1: {  	[sflag:s14] =	ssyncadd.s32 $0xFFFFFC00  }
0x1f2: {  	_ =	swait.ge [sflag:s14], $0x400  }
0x1f3: {  	[sflag:s14] =	ssyncset.done $0x0  }
0x1f4: {  	[sflag:s14] =	ssyncadd.s32 $0xFFFFFC00  }
0x1f5: {  	_ =	swait.ge [sflag:s14], $0x400  }
0x1f6: {  	[sflag:s14] =	ssyncset.done $0x0  }
0x1f7: {  	[sflag:s14] =	ssyncadd.s32 $0xFFFFFC00  }
0x1f8: {  	_ =	swait.ge [sflag:s14], $0x400  }
0x1f9: {  	[sflag:s14] =	ssyncset.done $0x0  }
0x1fa: {  	[sflag:s14] =	ssyncadd.s32 $0xFFFFFC00  }
0x1fb: {  	_ =	swait.ge [sflag:s14], $0x400  }
0x1fc: {  	[sflag:s14] =	ssyncset.done $0x0  }
0x1fd: {  	[sflag:s14] =	ssyncadd.s32 $0xFFFFFC00  }
0x1fe: {  	_ =	swait.ge [sflag:s14], $0x400  }
0x1ff: {  	[sflag:s14] =	ssyncset.done $0x0  }
0x200: {  	[sflag:s14] =	ssyncadd.s32 $0xFFFFFC00  }
0x201: {  	_ =	swait.ge [sflag:s14], $0x400  }
0x202: {  	s1 =	rddreg [dreg:$0x5]  }
0x203: {  	s31 =	rddreg [dreg:$0x4];
	s1 =	sadd.s32 $0x1, s1  }
0x204: {  	p0 =	sne.s32 s1, s31  }
.Ltmp6:
0x205: {  	_ = 	snop;
	(pc) =	sbr.rel @p0 .LBB2_1-.Ltmp6, $3  }
0x206: {  	_ =	sdelay $0x1  }
0x207: {  	[sflag:s14] =	ssyncset.done $0x0  }
0x208: {  	[sflag:s14] =	ssyncadd.s32 $0xFFFFFC00  }
0x209: {  	_ =	sfence.sel $0x180000  }
0x20a: {  	[bflag:$0x0] =	sbarrier.arrive $0xFFFF  }
0x20b: {  	_ =	strace $0x90000047  }
0x20c: {  	s0 =	stileid.u32;
	[bflag:$0x2] =	sbarrier.arrive $0xFFFF  }
0x20d: {  	p0 =	sne.s32 s0, $0x0;
	s0 =	rddreg [dreg:$0x2]  }
0x20e: {  	s0 =	sadd.s32 @!p0 $0x100000, s0  }
0x20f: {  	[sflag:s0] =	ssyncadd.tile.s32 @!p0 $0x1;
	_ =	shalt  }
.Lfunc_end2:
_tile_overlayer_lowered:
.L_overlay_start_2:
0x210: {  	(tag) =	ssettag $0x2  }
0x211: {  	s0 =	rddreg [dreg:$0x0];
	s2 =	stileid.u32  }
0x212: {  	s1 =	rddreg [dreg:$0x1];
	p0 =	sne.s32 s2, $0x0  }
0x213: {  	s3 =	rddreg [dreg:$0x2];
	[bflag:$0x3] =	sbarrier.arrive $0xFFFF;
	s2 =	simm.s32 @!p0 $0x1C05  }
0x214: {  	[timem:s3], [sflag:s2] =	dma.local @!p0 [hbm:s0], s1  }
0x215: {  	s0 =	simm.s32 @!p0 $0x5  }
0x216: {  	_ =	swait.ge @!p0 [sflag:s0], s1  }
0x217: {  	s1 =	ssub.s32 @!p0 $0x0, s1;
	[sflag:s0] =	ssyncset.done @!p0 $0x0  }
0x218: {  	[sflag:s0] =	ssyncadd.s32 @!p0 s1  }
0x219: {  	[bflag:$0x3] =	sbarrier.arrive $0xFFFF  }
0x21a: {  	_ =	shalt  }

</sc_bundles>
